<compile_context>
chip_gen: v7x
topology: tpu7x:2x2x1
jax: 0.10.2.dev20260603
libtpu: 0.0.44.dev20260713+nightly
codegen_flags: <defaults>
</compile_context>

<pallas_src>
import functools

import jax
import jax.numpy as jnp
from jax import lax
from jax.experimental import pallas as pl
from jax.experimental.pallas import tpu as pltpu
from jax.experimental.pallas import tpu_sc as plsc

N = 10000
E = 320000
D = 128
H = 8
C = 16
T = 16
NEG_SLOPE = 0.2

NC = 2
NS = 16
NW = NC * NS
EPT = E // NW
K = 80
NCHUNK = EPT // K
NPAD = 10240
RPT = NPAD // NS
AW = 144
LANES = 16


def _make_B(att):
    eye = jnp.concatenate(
        [jnp.eye(H, dtype=jnp.float32), jnp.zeros((H, LANES - H), jnp.float32)], axis=1)
    return (att[:, :, None] * eye[:, None, :]).reshape(H * C, LANES)


def _make_R():
    r = jnp.zeros((H, D), jnp.float32)
    idx = jnp.arange(D)
    return r.at[idx // C, idx].set(1.0)


def _proj_body(x_ref, w_ref, bs_ref, bd_ref, be_ref, emb_ref, lin_ref,
               haug_ref, adst_ref, bound_ref, aet_ref):
    h = jnp.dot(x_ref[...], w_ref[...], preferred_element_type=jnp.float32)
    asrc = jnp.dot(h, bs_ref[...], preferred_element_type=jnp.float32)
    adst = jnp.dot(h, bd_ref[...], preferred_element_type=jnp.float32)
    aet_full = jnp.dot(emb_ref[...], lin_ref[...], preferred_element_type=jnp.float32)
    aet = jnp.dot(aet_full, be_ref[...], preferred_element_type=jnp.float32)
    haug_ref[:, :D] = h
    haug_ref[:, D:] = asrc
    adst_ref[...] = adst
    bnd = (jnp.max(asrc, axis=0, keepdims=True)
           + jnp.max(adst, axis=0, keepdims=True)
           + jnp.max(aet, axis=0, keepdims=True))
    bound_ref[...] = jnp.where(bnd > 0, bnd, NEG_SLOPE * bnd)
    pad = jnp.concatenate(
        [jnp.zeros((1, H), jnp.float32), jnp.full((1, LANES - H), -1e30, jnp.float32)],
        axis=1)
    aet_ref[...] = aet + pad


_proj = pl.pallas_call(
    _proj_body,
    out_shape=[
        jax.ShapeDtypeStruct((N, AW), jnp.float32),
        jax.ShapeDtypeStruct((N, LANES), jnp.float32),
        jax.ShapeDtypeStruct((1, LANES), jnp.float32),
        jax.ShapeDtypeStruct((T, LANES), jnp.float32),
    ],
)


def _edge_body(haug_hbm, adst_hbm, aet_hbm, bound_hbm, src_hbm, dst_hbm, et_hbm,
               out_hbm, rows_v, msg_v, adst_v, srcidx_v, dstidx_v, et_v, aet_v,
               bound_v, acc_sh, sem1, sem2):
    cid = lax.axis_index("c")
    sid = lax.axis_index("s")
    wid = cid * NS + sid

    pltpu.sync_copy(aet_hbm, aet_v)
    pltpu.sync_copy(bound_hbm, bound_v)

    zero16 = jnp.zeros((LANES,), jnp.float32)

    def zrow(i, _):
        for j in range(AW // LANES):
            msg_v[i, pl.ds(j * LANES, LANES)] = zero16
        return 0

    lax.fori_loop(0, K, zrow, 0)

    base = sid * RPT
    for kc in range(RPT // K):
        pltpu.sync_copy(msg_v, acc_sh.at[pl.ds(base + kc * K, K)])
    plsc.subcore_barrier()

    iota16 = lax.iota(jnp.int32, LANES)
    ebase = wid * EPT

    def chunk(kc, _):
        cb = ebase + kc * K
        pltpu.sync_copy(src_hbm.at[pl.ds(cb, K)], srcidx_v)
        pltpu.sync_copy(dst_hbm.at[pl.ds(cb, K)], dstidx_v)
        pltpu.sync_copy(et_hbm.at[pl.ds(cb, K)], et_v)
        cp1 = pltpu.async_copy(haug_hbm.at[srcidx_v], rows_v, sem1)
        cp2 = pltpu.async_copy(adst_hbm.at[dstidx_v], adst_v, sem2)
        cp1.wait()
        cp2.wait()

        def edge(i, _):
            ivec = jnp.full((LANES,), i, jnp.int32)
            asrc = rows_v[i, pl.ds(D, LANES)]
            adst = adst_v[i]
            tvec = plsc.load_gather(et_v, [ivec])
            aet = plsc.load_gather(aet_v, [tvec, iota16])
            alpha = asrc + adst + aet
            alpha = jnp.maximum(alpha, NEG_SLOPE * alpha)
            ex = jnp.exp(alpha - bound_v[0])
            msg_v[i, pl.ds(D, LANES)] = ex
            for j in range(H):
                exj = plsc.load_gather(msg_v, [ivec, jnp.full((LANES,), D + j, jnp.int32)])
                msg_v[i, pl.ds(j * C, C)] = rows_v[i, pl.ds(j * C, C)] * exj
            return 0

        lax.fori_loop(0, K, edge, 0)
        pltpu.sync_copy(msg_v, acc_sh.at[dstidx_v], add=True)
        return 0

    lax.fori_loop(0, NCHUNK, chunk, 0)
    plsc.subcore_barrier()
    pltpu.sync_copy(acc_sh.at[pl.ds(sid * RPT, RPT)],
                    out_hbm.at[cid, pl.ds(sid * RPT, RPT)])


_edge = pl.kernel(
    _edge_body,
    out_type=jax.ShapeDtypeStruct((NC, NPAD, AW), jnp.float32),
    mesh=plsc.VectorSubcoreMesh(core_axis_name="c", subcore_axis_name="s"),
    compiler_params=pltpu.CompilerParams(needs_layout_passes=False,
                                         use_tc_tiling_on_sc=False),
    scratch_types=[
        pltpu.VMEM((K, AW), jnp.float32),
        pltpu.VMEM((K, AW), jnp.float32),
        pltpu.VMEM((K, LANES), jnp.float32),
        pltpu.VMEM((K,), jnp.int32),
        pltpu.VMEM((K,), jnp.int32),
        pltpu.VMEM((K,), jnp.int32),
        pltpu.VMEM((T, LANES), jnp.float32),
        pltpu.VMEM((1, LANES), jnp.float32),
        pltpu.VMEM_SHARED((NPAD, AW), jnp.float32),
        pltpu.SemaphoreType.DMA,
        pltpu.SemaphoreType.DMA,
    ],
)


def _fin_body(p_ref, bias_ref, r_ref, out_ref, *, relu):
    p = p_ref[0, :N] + p_ref[1, :N]
    accum = p[:, :D]
    denom = p[:, D:D + H]
    dinv = jnp.where(denom > 0, 1.0 / denom, 0.0)
    drep = jnp.dot(dinv, r_ref[...], preferred_element_type=jnp.float32)
    out = accum * drep + bias_ref[...]
    if relu:
        out = jnp.maximum(out, 0.0)
    out_ref[...] = out


def _fin(relu):
    return pl.pallas_call(
        functools.partial(_fin_body, relu=relu),
        out_shape=jax.ShapeDtypeStruct((N, D), jnp.float32),
    )


def kernel(x, edge_index, edge_type, edge_emb, W1, att_src1, att_dst1,
           lin_edge1, att_edge1, b1, W2, att_src2, att_dst2, lin_edge2,
           att_edge2, b2):
    src, dst = edge_index[0], edge_index[1]

    def layer(xin, W, att_src, att_dst, lin_edge, att_edge, bias, relu):
        haug, adst, bound, aet = _proj(xin, W, _make_B(att_src), _make_B(att_dst),
                                       _make_B(att_edge), edge_emb, lin_edge)
        part = _edge(haug, adst, aet, bound, src, dst, edge_type)
        return _fin(relu)(part, bias.reshape(1, D), _make_R())

    h1 = layer(x, W1, att_src1, att_dst1, lin_edge1, att_edge1, b1, True)
    return layer(h1, W2, att_src2, att_dst2, lin_edge2, att_edge2, b2, False)

# --- scband reference (transcript-rebuilt; emitter-appended) ---
"""Pipeline reference for scband-gat-8572754723376 (READ-ONLY COPY).

The authoritative reference and input builder live on the scoring server;
editing this copy changes nothing except your own understanding.
"""

import jax, jax.numpy as jnp
import numpy as np

N = 10000
E = 320000
D = 128
H = 8
C = 16
NUM_EDGE_TYPES = 16
EDGE_DIM = 16
NEG_SLOPE = 0.2


def setup_inputs(seed: int = 0):
    key = jax.random.key(seed)
    ks = jax.random.split(key, 16)
    x = jax.random.normal(ks[0], (N, D), dtype=jnp.float32)
    edge_index = jax.random.randint(ks[1], (2, E), 0, N, dtype=jnp.int32)
    edge_type = jax.random.randint(ks[2], (E,), 0, NUM_EDGE_TYPES, dtype=jnp.int32)
    edge_emb = jax.random.normal(ks[3], (NUM_EDGE_TYPES, EDGE_DIM), dtype=jnp.float32)
    s_in = 1.0 / np.sqrt(D)
    s_h = 1.0 / np.sqrt(H * C)
    s_e = 1.0 / np.sqrt(EDGE_DIM)
    W1 = jax.random.normal(ks[4], (D, H * C), dtype=jnp.float32) * s_in
    att_src1 = jax.random.normal(ks[5], (H, C), dtype=jnp.float32) * s_h
    att_dst1 = jax.random.normal(ks[6], (H, C), dtype=jnp.float32) * s_h
    lin_edge1 = jax.random.normal(ks[7], (EDGE_DIM, H * C), dtype=jnp.float32) * s_e
    att_edge1 = jax.random.normal(ks[8], (H, C), dtype=jnp.float32) * s_h
    b1 = jnp.zeros((H * C,), dtype=jnp.float32)
    W2 = jax.random.normal(ks[9], (H * C, H * C), dtype=jnp.float32) * s_h
    att_src2 = jax.random.normal(ks[10], (H, C), dtype=jnp.float32) * s_h
    att_dst2 = jax.random.normal(ks[11], (H, C), dtype=jnp.float32) * s_h
    lin_edge2 = jax.random.normal(ks[12], (EDGE_DIM, H * C), dtype=jnp.float32) * s_e
    att_edge2 = jax.random.normal(ks[13], (H, C), dtype=jnp.float32) * s_h
    b2 = jnp.zeros((H * C,), dtype=jnp.float32)
    return {"x": x, "edge_index": edge_index, "edge_type": edge_type, "edge_emb": edge_emb,
            "W1": W1, "att_src1": att_src1, "att_dst1": att_dst1, "lin_edge1": lin_edge1, "att_edge1": att_edge1, "b1": b1,
            "W2": W2, "att_src2": att_src2, "att_dst2": att_dst2, "lin_edge2": lin_edge2, "att_edge2": att_edge2, "b2": b2}


def gat_layer(xin, src, dst, edge_attr, W, att_src, att_dst, lin_edge, att_edge, bias):
    h = (xin @ W).reshape(-1, H, C)
    a_src = (h * att_src[None, :, :]).sum(-1)
    a_dst = (h * att_dst[None, :, :]).sum(-1)
    e = (edge_attr @ lin_edge).reshape(-1, H, C)
    a_edge = (e * att_edge[None, :, :]).sum(-1)
    alpha = a_src[src] + a_dst[dst] + a_edge
    alpha = jax.nn.leaky_relu(alpha, negative_slope=NEG_SLOPE)
    amax = jax.ops.segment_max(alpha, dst, num_segments=N)
    amax = jnp.where(jnp.isfinite(amax), amax, 0.0)
    ex = jnp.exp(alpha - amax[dst])
    denom = jax.ops.segment_sum(ex, dst, num_segments=N)
    coef = ex / (denom[dst] + 1e-16)
    msg = h[src] * coef[:, :, None]
    out = jax.ops.segment_sum(msg, dst, num_segments=N)
    return out.reshape(N, H * C) + bias[None, :]


def reference(x, edge_index, edge_type, edge_emb, W1, att_src1, att_dst1, lin_edge1, att_edge1, b1, W2, att_src2, att_dst2, lin_edge2, att_edge2, b2):
    src, dst = edge_index[0], edge_index[1]
    edge_attr = jnp.take(edge_emb, edge_type, axis=0)
    h = gat_layer(x, src, dst, edge_attr, W1, att_src1, att_dst1, lin_edge1, att_edge1, b1)
    h = jax.nn.relu(h)
    out = gat_layer(h, src, dst, edge_attr, W2, att_src2, att_dst2, lin_edge2, att_edge2, b2)
    return out

if __name__ == "__main__":
    import jax
    _d = setup_inputs()
    print(jax.jit(kernel)(*tuple(_d.values())))

</pallas_src>

<mosaic_0001>
#map = affine_map<(d0, d1) -> (0, 0)>
#map1 = affine_map<(d0, d1) -> (0)>
#map2 = affine_map<(d0, d1) -> (0, 0, 0)>
module attributes {stable_mosaic.version = 14 : i64} {
  func.func @_edge_body(%arg0: i32, %arg1: i32, %arg2: memref<10000x144xf32, #tpu.memory_space<hbm>>, %arg3: memref<10000x16xf32, #tpu.memory_space<hbm>>, %arg4: memref<16x16xf32, #tpu.memory_space<hbm>>, %arg5: memref<1x16xf32, #tpu.memory_space<hbm>>, %arg6: memref<320000xi32, #tpu.memory_space<hbm>>, %arg7: memref<320000xi32, #tpu.memory_space<hbm>>, %arg8: memref<320000xi32, #tpu.memory_space<hbm>>, %arg9: memref<2x10240x144xf32, #tpu.memory_space<hbm>>, %arg10: memref<80x144xf32, #tpu.memory_space<vmem>>, %arg11: memref<80x144xf32, #tpu.memory_space<vmem>>, %arg12: memref<80x16xf32, #tpu.memory_space<vmem>>, %arg13: memref<80xi32, #tpu.memory_space<vmem>>, %arg14: memref<80xi32, #tpu.memory_space<vmem>>, %arg15: memref<80xi32, #tpu.memory_space<vmem>>, %arg16: memref<16x16xf32, #tpu.memory_space<vmem>>, %arg17: memref<1x16xf32, #tpu.memory_space<vmem>>, %arg18: memref<10240x144xf32, #tpu.memory_space<vmem_shared>>, %arg19: memref<!tpu.dma_semaphore, #tpu.memory_space<semaphore_mem>>, %arg20: memref<!tpu.dma_semaphore, #tpu.memory_space<semaphore_mem>>) attributes {dimension_semantics = [#tpu.dimension_semantics<core_parallel>, #tpu.dimension_semantics<subcore_parallel>], iteration_bounds = array<i64: 2, 16>, scalar_prefetch = 0 : i64, scratch_operands = 11 : i64, tpu.core_type = #tpu.core_type<sc_vector_subcore>, window_params = [{transform_indices = #map}, {transform_indices = #map}, {transform_indices = #map}, {transform_indices = #map}, {transform_indices = #map1}, {transform_indices = #map1}, {transform_indices = #map1}, {transform_indices = #map2}]} {
    %mul3A = arith.constant 16 : i32
    %mul3A_0 = arith.muli %arg0, %mul3A : i32
    %add3A = arith.addi %mul3A_0, %arg1 : i32
    "tpu.region"() ({
      %run_scoped3A = tpu.sem_alloc : memref<!tpu.dma_semaphore, #tpu.memory_space<semaphore_mem>>
      tpu.enqueue_dma source(%arg4 : memref<16x16xf32, #tpu.memory_space<hbm>>) target(%arg16 : memref<16x16xf32, #tpu.memory_space<vmem>>) target_semaphore(%run_scoped3A : memref<!tpu.dma_semaphore, #tpu.memory_space<semaphore_mem>>)
      tpu.wait_dma2 semaphore(%run_scoped3A : memref<!tpu.dma_semaphore, #tpu.memory_space<semaphore_mem>>) src(%arg4 : memref<16x16xf32, #tpu.memory_space<hbm>>) dst(%arg16 : memref<16x16xf32, #tpu.memory_space<vmem>>)
      tpu.yield
    }) : () -> ()
    "tpu.region"() ({
      %run_scoped3A = tpu.sem_alloc : memref<!tpu.dma_semaphore, #tpu.memory_space<semaphore_mem>>
      tpu.enqueue_dma source(%arg5 : memref<1x16xf32, #tpu.memory_space<hbm>>) target(%arg17 : memref<1x16xf32, #tpu.memory_space<vmem>>) target_semaphore(%run_scoped3A : memref<!tpu.dma_semaphore, #tpu.memory_space<semaphore_mem>>)
      tpu.wait_dma2 semaphore(%run_scoped3A : memref<!tpu.dma_semaphore, #tpu.memory_space<semaphore_mem>>) src(%arg5 : memref<1x16xf32, #tpu.memory_space<hbm>>) dst(%arg17 : memref<1x16xf32, #tpu.memory_space<vmem>>)
      tpu.yield
    }) : () -> ()
    %broadcast_in_dim3A = arith.constant 0.000000e+00 : f32
    %broadcast_in_dim3A_1 = vector.broadcast %broadcast_in_dim3A : f32 to vector<16xf32>
    %scan3A = arith.constant 0 : i32
    %scan3A_2 = arith.constant 0 : i32
    %scan3A_3 = arith.constant 80 : i32
    %scan3A_4 = arith.addi %scan3A_2, %scan3A_3 : i32
    %scan3A_5 = arith.constant 1 : i32
    %scan3A_6 = scf.for %scan3A_40 = %scan3A_2 to %scan3A_4 step %scan3A_5 iter_args(%scan3A_41 = %scan3A) -> (i32)  : i32 {
      %swap3A = arith.index_cast %scan3A_40 : i32 to index
      %swap3A_42 = arith.constant 0 : index
      %swap3A_43 = tpu.vector_load %arg11[%swap3A, %swap3A_42] {strides = array<i32>} : memref<80x144xf32, #tpu.memory_space<vmem>>, vector<16xf32>,
      tpu.vector_store %arg11[%swap3A, %swap3A_42], %broadcast_in_dim3A_1 {strides = array<i32>} : memref<80x144xf32, #tpu.memory_space<vmem>>, vector<16xf32>,
      %swap3A_44 = arith.index_cast %scan3A_40 : i32 to index
      %swap3A_45 = arith.constant 16 : index
      %swap3A_46 = tpu.vector_load %arg11[%swap3A_44, %swap3A_45] {strides = array<i32>} : memref<80x144xf32, #tpu.memory_space<vmem>>, vector<16xf32>,
      tpu.vector_store %arg11[%swap3A_44, %swap3A_45], %broadcast_in_dim3A_1 {strides = array<i32>} : memref<80x144xf32, #tpu.memory_space<vmem>>, vector<16xf32>,
      %swap3A_47 = arith.index_cast %scan3A_40 : i32 to index
      %swap3A_48 = arith.constant 32 : index
      %swap3A_49 = tpu.vector_load %arg11[%swap3A_47, %swap3A_48] {strides = array<i32>} : memref<80x144xf32, #tpu.memory_space<vmem>>, vector<16xf32>,
      tpu.vector_store %arg11[%swap3A_47, %swap3A_48], %broadcast_in_dim3A_1 {strides = array<i32>} : memref<80x144xf32, #tpu.memory_space<vmem>>, vector<16xf32>,
      %swap3A_50 = arith.index_cast %scan3A_40 : i32 to index
      %swap3A_51 = arith.constant 48 : index
      %swap3A_52 = tpu.vector_load %arg11[%swap3A_50, %swap3A_51] {strides = array<i32>} : memref<80x144xf32, #tpu.memory_space<vmem>>, vector<16xf32>,
      tpu.vector_store %arg11[%swap3A_50, %swap3A_51], %broadcast_in_dim3A_1 {strides = array<i32>} : memref<80x144xf32, #tpu.memory_space<vmem>>, vector<16xf32>,
      %swap3A_53 = arith.index_cast %scan3A_40 : i32 to index
      %swap3A_54 = arith.constant 64 : index
      %swap3A_55 = tpu.vector_load %arg11[%swap3A_53, %swap3A_54] {strides = array<i32>} : memref<80x144xf32, #tpu.memory_space<vmem>>, vector<16xf32>,
      tpu.vector_store %arg11[%swap3A_53, %swap3A_54], %broadcast_in_dim3A_1 {strides = array<i32>} : memref<80x144xf32, #tpu.memory_space<vmem>>, vector<16xf32>,
      %swap3A_56 = arith.index_cast %scan3A_40 : i32 to index
      %swap3A_57 = arith.constant 80 : index
      %swap3A_58 = tpu.vector_load %arg11[%swap3A_56, %swap3A_57] {strides = array<i32>} : memref<80x144xf32, #tpu.memory_space<vmem>>, vector<16xf32>,
      tpu.vector_store %arg11[%swap3A_56, %swap3A_57], %broadcast_in_dim3A_1 {strides = array<i32>} : memref<80x144xf32, #tpu.memory_space<vmem>>, vector<16xf32>,
      %swap3A_59 = arith.index_cast %scan3A_40 : i32 to index
      %swap3A_60 = arith.constant 96 : index
      %swap3A_61 = tpu.vector_load %arg11[%swap3A_59, %swap3A_60] {strides = array<i32>} : memref<80x144xf32, #tpu.memory_space<vmem>>, vector<16xf32>,
      tpu.vector_store %arg11[%swap3A_59, %swap3A_60], %broadcast_in_dim3A_1 {strides = array<i32>} : memref<80x144xf32, #tpu.memory_space<vmem>>, vector<16xf32>,
      %swap3A_62 = arith.index_cast %scan3A_40 : i32 to index
      %swap3A_63 = arith.constant 112 : index
      %swap3A_64 = tpu.vector_load %arg11[%swap3A_62, %swap3A_63] {strides = array<i32>} : memref<80x144xf32, #tpu.memory_space<vmem>>, vector<16xf32>,
      tpu.vector_store %arg11[%swap3A_62, %swap3A_63], %broadcast_in_dim3A_1 {strides = array<i32>} : memref<80x144xf32, #tpu.memory_space<vmem>>, vector<16xf32>,
      %swap3A_65 = arith.index_cast %scan3A_40 : i32 to index
      %swap3A_66 = arith.constant 128 : index
      %swap3A_67 = tpu.vector_load %arg11[%swap3A_65, %swap3A_66] {strides = array<i32>} : memref<80x144xf32, #tpu.memory_space<vmem>>, vector<16xf32>,
      tpu.vector_store %arg11[%swap3A_65, %swap3A_66], %broadcast_in_dim3A_1 {strides = array<i32>} : memref<80x144xf32, #tpu.memory_space<vmem>>, vector<16xf32>,
      %scan3A_68 = arith.constant 0 : i32
      scf.yield %scan3A_68 : i32
    }
    %scan3A_7 = arith.constant 80 : i32
    %mul3A_8 = arith.constant 640 : i32
    %mul3A_9 = arith.muli %arg1, %mul3A_8 : i32
    %add3A_10 = arith.constant 0 : i32
    %add3A_11 = arith.addi %mul3A_9, %add3A_10 : i32
    "tpu.region"() ({
      %run_scoped3A = tpu.sem_alloc : memref<!tpu.dma_semaphore, #tpu.memory_space<semaphore_mem>>
      %dma_start3A = arith.constant 0 : i32
      %dma_start3A_40 = tpu.memref_slice %arg18[%add3A_11, %dma_start3A] : memref<10240x144xf32, #tpu.memory_space<vmem_shared>> -> memref<80x144xf32, #tpu.memory_space<vmem_shared>>
      %dma_start3A_41 = arith.constant 0 : i32
      %dma_start3A_42 = tpu.memref_slice %arg18[%add3A_11, %dma_start3A_41] : memref<10240x144xf32, #tpu.memory_space<vmem_shared>> -> memref<80x144xf32, #tpu.memory_space<vmem_shared>>
      tpu.enqueue_dma source(%arg11 : memref<80x144xf32, #tpu.memory_space<vmem>>) target(%dma_start3A_42 : memref<80x144xf32, #tpu.memory_space<vmem_shared>>) target_semaphore(%run_scoped3A : memref<!tpu.dma_semaphore, #tpu.memory_space<semaphore_mem>>)
      %dma_wait3A = arith.constant 0 : i32
      %dma_wait3A_43 = tpu.memref_slice %arg18[%add3A_11, %dma_wait3A] : memref<10240x144xf32, #tpu.memory_space<vmem_shared>> -> memref<80x144xf32, #tpu.memory_space<vmem_shared>>
      %dma_wait3A_44 = arith.constant 0 : i32
      %dma_wait3A_45 = tpu.memref_slice %arg18[%add3A_11, %dma_wait3A_44] : memref<10240x144xf32, #tpu.memory_space<vmem_shared>> -> memref<80x144xf32, #tpu.memory_space<vmem_shared>>
      tpu.wait_dma2 semaphore(%run_scoped3A : memref<!tpu.dma_semaphore, #tpu.memory_space<semaphore_mem>>) src(%arg11 : memref<80x144xf32, #tpu.memory_space<vmem>>) dst(%dma_wait3A_45 : memref<80x144xf32, #tpu.memory_space<vmem_shared>>)
      tpu.yield
    }) : () -> ()
    %add3A_12 = arith.constant 80 : i32
    %add3A_13 = arith.addi %mul3A_9, %add3A_12 : i32
    "tpu.region"() ({
      %run_scoped3A = tpu.sem_alloc : memref<!tpu.dma_semaphore, #tpu.memory_space<semaphore_mem>>
      %dma_start3A = arith.constant 0 : i32
      %dma_start3A_40 = tpu.memref_slice %arg18[%add3A_13, %dma_start3A] : memref<10240x144xf32, #tpu.memory_space<vmem_shared>> -> memref<80x144xf32, #tpu.memory_space<vmem_shared>>
      %dma_start3A_41 = arith.constant 0 : i32
      %dma_start3A_42 = tpu.memref_slice %arg18[%add3A_13, %dma_start3A_41] : memref<10240x144xf32, #tpu.memory_space<vmem_shared>> -> memref<80x144xf32, #tpu.memory_space<vmem_shared>>
      tpu.enqueue_dma source(%arg11 : memref<80x144xf32, #tpu.memory_space<vmem>>) target(%dma_start3A_42 : memref<80x144xf32, #tpu.memory_space<vmem_shared>>) target_semaphore(%run_scoped3A : memref<!tpu.dma_semaphore, #tpu.memory_space<semaphore_mem>>)
      %dma_wait3A = arith.constant 0 : i32
      %dma_wait3A_43 = tpu.memref_slice %arg18[%add3A_13, %dma_wait3A] : memref<10240x144xf32, #tpu.memory_space<vmem_shared>> -> memref<80x144xf32, #tpu.memory_space<vmem_shared>>
      %dma_wait3A_44 = arith.constant 0 : i32
      %dma_wait3A_45 = tpu.memref_slice %arg18[%add3A_13, %dma_wait3A_44] : memref<10240x144xf32, #tpu.memory_space<vmem_shared>> -> memref<80x144xf32, #tpu.memory_space<vmem_shared>>
      tpu.wait_dma2 semaphore(%run_scoped3A : memref<!tpu.dma_semaphore, #tpu.memory_space<semaphore_mem>>) src(%arg11 : memref<80x144xf32, #tpu.memory_space<vmem>>) dst(%dma_wait3A_45 : memref<80x144xf32, #tpu.memory_space<vmem_shared>>)
      tpu.yield
    }) : () -> ()
    %add3A_14 = arith.constant 160 : i32
    %add3A_15 = arith.addi %mul3A_9, %add3A_14 : i32
    "tpu.region"() ({
      %run_scoped3A = tpu.sem_alloc : memref<!tpu.dma_semaphore, #tpu.memory_space<semaphore_mem>>
      %dma_start3A = arith.constant 0 : i32
      %dma_start3A_40 = tpu.memref_slice %arg18[%add3A_15, %dma_start3A] : memref<10240x144xf32, #tpu.memory_space<vmem_shared>> -> memref<80x144xf32, #tpu.memory_space<vmem_shared>>
      %dma_start3A_41 = arith.constant 0 : i32
      %dma_start3A_42 = tpu.memref_slice %arg18[%add3A_15, %dma_start3A_41] : memref<10240x144xf32, #tpu.memory_space<vmem_shared>> -> memref<80x144xf32, #tpu.memory_space<vmem_shared>>
      tpu.enqueue_dma source(%arg11 : memref<80x144xf32, #tpu.memory_space<vmem>>) target(%dma_start3A_42 : memref<80x144xf32, #tpu.memory_space<vmem_shared>>) target_semaphore(%run_scoped3A : memref<!tpu.dma_semaphore, #tpu.memory_space<semaphore_mem>>)
      %dma_wait3A = arith.constant 0 : i32
      %dma_wait3A_43 = tpu.memref_slice %arg18[%add3A_15, %dma_wait3A] : memref<10240x144xf32, #tpu.memory_space<vmem_shared>> -> memref<80x144xf32, #tpu.memory_space<vmem_shared>>
      %dma_wait3A_44 = arith.constant 0 : i32
      %dma_wait3A_45 = tpu.memref_slice %arg18[%add3A_15, %dma_wait3A_44] : memref<10240x144xf32, #tpu.memory_space<vmem_shared>> -> memref<80x144xf32, #tpu.memory_space<vmem_shared>>
      tpu.wait_dma2 semaphore(%run_scoped3A : memref<!tpu.dma_semaphore, #tpu.memory_space<semaphore_mem>>) src(%arg11 : memref<80x144xf32, #tpu.memory_space<vmem>>) dst(%dma_wait3A_45 : memref<80x144xf32, #tpu.memory_space<vmem_shared>>)
      tpu.yield
    }) : () -> ()
    %add3A_16 = arith.constant 240 : i32
    %add3A_17 = arith.addi %mul3A_9, %add3A_16 : i32
    "tpu.region"() ({
      %run_scoped3A = tpu.sem_alloc : memref<!tpu.dma_semaphore, #tpu.memory_space<semaphore_mem>>
      %dma_start3A = arith.constant 0 : i32
      %dma_start3A_40 = tpu.memref_slice %arg18[%add3A_17, %dma_start3A] : memref<10240x144xf32, #tpu.memory_space<vmem_shared>> -> memref<80x144xf32, #tpu.memory_space<vmem_shared>>
      %dma_start3A_41 = arith.constant 0 : i32
      %dma_start3A_42 = tpu.memref_slice %arg18[%add3A_17, %dma_start3A_41] : memref<10240x144xf32, #tpu.memory_space<vmem_shared>> -> memref<80x144xf32, #tpu.memory_space<vmem_shared>>
      tpu.enqueue_dma source(%arg11 : memref<80x144xf32, #tpu.memory_space<vmem>>) target(%dma_start3A_42 : memref<80x144xf32, #tpu.memory_space<vmem_shared>>) target_semaphore(%run_scoped3A : memref<!tpu.dma_semaphore, #tpu.memory_space<semaphore_mem>>)
      %dma_wait3A = arith.constant 0 : i32
      %dma_wait3A_43 = tpu.memref_slice %arg18[%add3A_17, %dma_wait3A] : memref<10240x144xf32, #tpu.memory_space<vmem_shared>> -> memref<80x144xf32, #tpu.memory_space<vmem_shared>>
      %dma_wait3A_44 = arith.constant 0 : i32
      %dma_wait3A_45 = tpu.memref_slice %arg18[%add3A_17, %dma_wait3A_44] : memref<10240x144xf32, #tpu.memory_space<vmem_shared>> -> memref<80x144xf32, #tpu.memory_space<vmem_shared>>
      tpu.wait_dma2 semaphore(%run_scoped3A : memref<!tpu.dma_semaphore, #tpu.memory_space<semaphore_mem>>) src(%arg11 : memref<80x144xf32, #tpu.memory_space<vmem>>) dst(%dma_wait3A_45 : memref<80x144xf32, #tpu.memory_space<vmem_shared>>)
      tpu.yield
    }) : () -> ()
    %add3A_18 = arith.constant 320 : i32
    %add3A_19 = arith.addi %mul3A_9, %add3A_18 : i32
    "tpu.region"() ({
      %run_scoped3A = tpu.sem_alloc : memref<!tpu.dma_semaphore, #tpu.memory_space<semaphore_mem>>
      %dma_start3A = arith.constant 0 : i32
      %dma_start3A_40 = tpu.memref_slice %arg18[%add3A_19, %dma_start3A] : memref<10240x144xf32, #tpu.memory_space<vmem_shared>> -> memref<80x144xf32, #tpu.memory_space<vmem_shared>>
      %dma_start3A_41 = arith.constant 0 : i32
      %dma_start3A_42 = tpu.memref_slice %arg18[%add3A_19, %dma_start3A_41] : memref<10240x144xf32, #tpu.memory_space<vmem_shared>> -> memref<80x144xf32, #tpu.memory_space<vmem_shared>>
      tpu.enqueue_dma source(%arg11 : memref<80x144xf32, #tpu.memory_space<vmem>>) target(%dma_start3A_42 : memref<80x144xf32, #tpu.memory_space<vmem_shared>>) target_semaphore(%run_scoped3A : memref<!tpu.dma_semaphore, #tpu.memory_space<semaphore_mem>>)
      %dma_wait3A = arith.constant 0 : i32
      %dma_wait3A_43 = tpu.memref_slice %arg18[%add3A_19, %dma_wait3A] : memref<10240x144xf32, #tpu.memory_space<vmem_shared>> -> memref<80x144xf32, #tpu.memory_space<vmem_shared>>
      %dma_wait3A_44 = arith.constant 0 : i32
      %dma_wait3A_45 = tpu.memref_slice %arg18[%add3A_19, %dma_wait3A_44] : memref<10240x144xf32, #tpu.memory_space<vmem_shared>> -> memref<80x144xf32, #tpu.memory_space<vmem_shared>>
      tpu.wait_dma2 semaphore(%run_scoped3A : memref<!tpu.dma_semaphore, #tpu.memory_space<semaphore_mem>>) src(%arg11 : memref<80x144xf32, #tpu.memory_space<vmem>>) dst(%dma_wait3A_45 : memref<80x144xf32, #tpu.memory_space<vmem_shared>>)
      tpu.yield
    }) : () -> ()
    %add3A_20 = arith.constant 400 : i32
    %add3A_21 = arith.addi %mul3A_9, %add3A_20 : i32
    "tpu.region"() ({
      %run_scoped3A = tpu.sem_alloc : memref<!tpu.dma_semaphore, #tpu.memory_space<semaphore_mem>>
      %dma_start3A = arith.constant 0 : i32
      %dma_start3A_40 = tpu.memref_slice %arg18[%add3A_21, %dma_start3A] : memref<10240x144xf32, #tpu.memory_space<vmem_shared>> -> memref<80x144xf32, #tpu.memory_space<vmem_shared>>
      %dma_start3A_41 = arith.constant 0 : i32
      %dma_start3A_42 = tpu.memref_slice %arg18[%add3A_21, %dma_start3A_41] : memref<10240x144xf32, #tpu.memory_space<vmem_shared>> -> memref<80x144xf32, #tpu.memory_space<vmem_shared>>
      tpu.enqueue_dma source(%arg11 : memref<80x144xf32, #tpu.memory_space<vmem>>) target(%dma_start3A_42 : memref<80x144xf32, #tpu.memory_space<vmem_shared>>) target_semaphore(%run_scoped3A : memref<!tpu.dma_semaphore, #tpu.memory_space<semaphore_mem>>)
      %dma_wait3A = arith.constant 0 : i32
      %dma_wait3A_43 = tpu.memref_slice %arg18[%add3A_21, %dma_wait3A] : memref<10240x144xf32, #tpu.memory_space<vmem_shared>> -> memref<80x144xf32, #tpu.memory_space<vmem_shared>>
      %dma_wait3A_44 = arith.constant 0 : i32
      %dma_wait3A_45 = tpu.memref_slice %arg18[%add3A_21, %dma_wait3A_44] : memref<10240x144xf32, #tpu.memory_space<vmem_shared>> -> memref<80x144xf32, #tpu.memory_space<vmem_shared>>
      tpu.wait_dma2 semaphore(%run_scoped3A : memref<!tpu.dma_semaphore, #tpu.memory_space<semaphore_mem>>) src(%arg11 : memref<80x144xf32, #tpu.memory_space<vmem>>) dst(%dma_wait3A_45 : memref<80x144xf32, #tpu.memory_space<vmem_shared>>)
      tpu.yield
    }) : () -> ()
    %add3A_22 = arith.constant 480 : i32
    %add3A_23 = arith.addi %mul3A_9, %add3A_22 : i32
    "tpu.region"() ({
      %run_scoped3A = tpu.sem_alloc : memref<!tpu.dma_semaphore, #tpu.memory_space<semaphore_mem>>
      %dma_start3A = arith.constant 0 : i32
      %dma_start3A_40 = tpu.memref_slice %arg18[%add3A_23, %dma_start3A] : memref<10240x144xf32, #tpu.memory_space<vmem_shared>> -> memref<80x144xf32, #tpu.memory_space<vmem_shared>>
      %dma_start3A_41 = arith.constant 0 : i32
      %dma_start3A_42 = tpu.memref_slice %arg18[%add3A_23, %dma_start3A_41] : memref<10240x144xf32, #tpu.memory_space<vmem_shared>> -> memref<80x144xf32, #tpu.memory_space<vmem_shared>>
      tpu.enqueue_dma source(%arg11 : memref<80x144xf32, #tpu.memory_space<vmem>>) target(%dma_start3A_42 : memref<80x144xf32, #tpu.memory_space<vmem_shared>>) target_semaphore(%run_scoped3A : memref<!tpu.dma_semaphore, #tpu.memory_space<semaphore_mem>>)
      %dma_wait3A = arith.constant 0 : i32
      %dma_wait3A_43 = tpu.memref_slice %arg18[%add3A_23, %dma_wait3A] : memref<10240x144xf32, #tpu.memory_space<vmem_shared>> -> memref<80x144xf32, #tpu.memory_space<vmem_shared>>
      %dma_wait3A_44 = arith.constant 0 : i32
      %dma_wait3A_45 = tpu.memref_slice %arg18[%add3A_23, %dma_wait3A_44] : memref<10240x144xf32, #tpu.memory_space<vmem_shared>> -> memref<80x144xf32, #tpu.memory_space<vmem_shared>>
      tpu.wait_dma2 semaphore(%run_scoped3A : memref<!tpu.dma_semaphore, #tpu.memory_space<semaphore_mem>>) src(%arg11 : memref<80x144xf32, #tpu.memory_space<vmem>>) dst(%dma_wait3A_45 : memref<80x144xf32, #tpu.memory_space<vmem_shared>>)
      tpu.yield
    }) : () -> ()
    %add3A_24 = arith.constant 560 : i32
    %add3A_25 = arith.addi %mul3A_9, %add3A_24 : i32
    "tpu.region"() ({
      %run_scoped3A = tpu.sem_alloc : memref<!tpu.dma_semaphore, #tpu.memory_space<semaphore_mem>>
      %dma_start3A = arith.constant 0 : i32
      %dma_start3A_40 = tpu.memref_slice %arg18[%add3A_25, %dma_start3A] : memref<10240x144xf32, #tpu.memory_space<vmem_shared>> -> memref<80x144xf32, #tpu.memory_space<vmem_shared>>
      %dma_start3A_41 = arith.constant 0 : i32
      %dma_start3A_42 = tpu.memref_slice %arg18[%add3A_25, %dma_start3A_41] : memref<10240x144xf32, #tpu.memory_space<vmem_shared>> -> memref<80x144xf32, #tpu.memory_space<vmem_shared>>
      tpu.enqueue_dma source(%arg11 : memref<80x144xf32, #tpu.memory_space<vmem>>) target(%dma_start3A_42 : memref<80x144xf32, #tpu.memory_space<vmem_shared>>) target_semaphore(%run_scoped3A : memref<!tpu.dma_semaphore, #tpu.memory_space<semaphore_mem>>)
      %dma_wait3A = arith.constant 0 : i32
      %dma_wait3A_43 = tpu.memref_slice %arg18[%add3A_25, %dma_wait3A] : memref<10240x144xf32, #tpu.memory_space<vmem_shared>> -> memref<80x144xf32, #tpu.memory_space<vmem_shared>>
      %dma_wait3A_44 = arith.constant 0 : i32
      %dma_wait3A_45 = tpu.memref_slice %arg18[%add3A_25, %dma_wait3A_44] : memref<10240x144xf32, #tpu.memory_space<vmem_shared>> -> memref<80x144xf32, #tpu.memory_space<vmem_shared>>
      tpu.wait_dma2 semaphore(%run_scoped3A : memref<!tpu.dma_semaphore, #tpu.memory_space<semaphore_mem>>) src(%arg11 : memref<80x144xf32, #tpu.memory_space<vmem>>) dst(%dma_wait3A_45 : memref<80x144xf32, #tpu.memory_space<vmem_shared>>)
      tpu.yield
    }) : () -> ()
    %barrier3A = arith.constant 0 : index
    tpu.barrier barrier_id(%barrier3A)
    %iota3A = tpu.iota {dimensions = array<i32: 0>} : vector<16xi32>
    %mul3A_26 = arith.constant 10000 : i32
    %mul3A_27 = arith.muli %add3A, %mul3A_26 : i32
    %scan3A_28 = arith.constant 0 : i32
    %scan3A_29 = arith.constant 0 : i32
    %scan3A_30 = arith.constant 125 : i32
    %scan3A_31 = arith.addi %scan3A_29, %scan3A_30 : i32
    %scan3A_32 = arith.constant 1 : i32
    %scan3A_33 = scf.for %scan3A_40 = %scan3A_29 to %scan3A_31 step %scan3A_32 iter_args(%scan3A_41 = %scan3A_28) -> (i32)  : i32 {
      %mul3A_42 = arith.constant 80 : i32
      %mul3A_43 = arith.muli %scan3A_40, %mul3A_42 : i32
      %add3A_44 = arith.addi %mul3A_27, %mul3A_43 : i32
      "tpu.region"() ({
        %run_scoped3A = tpu.sem_alloc : memref<!tpu.dma_semaphore, #tpu.memory_space<semaphore_mem>>
        %dma_start3A_63 = tpu.memref_slice %arg6[%add3A_44] : memref<320000xi32, #tpu.memory_space<hbm>> -> memref<80xi32, #tpu.memory_space<hbm>>
        %dma_start3A_64 = tpu.memref_slice %arg6[%add3A_44] : memref<320000xi32, #tpu.memory_space<hbm>> -> memref<80xi32, #tpu.memory_space<hbm>>
        tpu.enqueue_dma source(%dma_start3A_64 : memref<80xi32, #tpu.memory_space<hbm>>) target(%arg13 : memref<80xi32, #tpu.memory_space<vmem>>) target_semaphore(%run_scoped3A : memref<!tpu.dma_semaphore, #tpu.memory_space<semaphore_mem>>)
        %dma_wait3A_65 = tpu.memref_slice %arg6[%add3A_44] : memref<320000xi32, #tpu.memory_space<hbm>> -> memref<80xi32, #tpu.memory_space<hbm>>
        %dma_wait3A_66 = tpu.memref_slice %arg6[%add3A_44] : memref<320000xi32, #tpu.memory_space<hbm>> -> memref<80xi32, #tpu.memory_space<hbm>>
        tpu.wait_dma2 semaphore(%run_scoped3A : memref<!tpu.dma_semaphore, #tpu.memory_space<semaphore_mem>>) src(%dma_wait3A_66 : memref<80xi32, #tpu.memory_space<hbm>>) dst(%arg13 : memref<80xi32, #tpu.memory_space<vmem>>)
        tpu.yield
      }) : () -> ()
      "tpu.region"() ({
        %run_scoped3A = tpu.sem_alloc : memref<!tpu.dma_semaphore, #tpu.memory_space<semaphore_mem>>
        %dma_start3A_63 = tpu.memref_slice %arg7[%add3A_44] : memref<320000xi32, #tpu.memory_space<hbm>> -> memref<80xi32, #tpu.memory_space<hbm>>
        %dma_start3A_64 = tpu.memref_slice %arg7[%add3A_44] : memref<320000xi32, #tpu.memory_space<hbm>> -> memref<80xi32, #tpu.memory_space<hbm>>
        tpu.enqueue_dma source(%dma_start3A_64 : memref<80xi32, #tpu.memory_space<hbm>>) target(%arg14 : memref<80xi32, #tpu.memory_space<vmem>>) target_semaphore(%run_scoped3A : memref<!tpu.dma_semaphore, #tpu.memory_space<semaphore_mem>>)
        %dma_wait3A_65 = tpu.memref_slice %arg7[%add3A_44] : memref<320000xi32, #tpu.memory_space<hbm>> -> memref<80xi32, #tpu.memory_space<hbm>>
        %dma_wait3A_66 = tpu.memref_slice %arg7[%add3A_44] : memref<320000xi32, #tpu.memory_space<hbm>> -> memref<80xi32, #tpu.memory_space<hbm>>
        tpu.wait_dma2 semaphore(%run_scoped3A : memref<!tpu.dma_semaphore, #tpu.memory_space<semaphore_mem>>) src(%dma_wait3A_66 : memref<80xi32, #tpu.memory_space<hbm>>) dst(%arg14 : memref<80xi32, #tpu.memory_space<vmem>>)
        tpu.yield
      }) : () -> ()
      "tpu.region"() ({
        %run_scoped3A = tpu.sem_alloc : memref<!tpu.dma_semaphore, #tpu.memory_space<semaphore_mem>>
        %dma_start3A_63 = tpu.memref_slice %arg8[%add3A_44] : memref<320000xi32, #tpu.memory_space<hbm>> -> memref<80xi32, #tpu.memory_space<hbm>>
        %dma_start3A_64 = tpu.memref_slice %arg8[%add3A_44] : memref<320000xi32, #tpu.memory_space<hbm>> -> memref<80xi32, #tpu.memory_space<hbm>>
        tpu.enqueue_dma source(%dma_start3A_64 : memref<80xi32, #tpu.memory_space<hbm>>) target(%arg15 : memref<80xi32, #tpu.memory_space<vmem>>) target_semaphore(%run_scoped3A : memref<!tpu.dma_semaphore, #tpu.memory_space<semaphore_mem>>)
        %dma_wait3A_65 = tpu.memref_slice %arg8[%add3A_44] : memref<320000xi32, #tpu.memory_space<hbm>> -> memref<80xi32, #tpu.memory_space<hbm>>
        %dma_wait3A_66 = tpu.memref_slice %arg8[%add3A_44] : memref<320000xi32, #tpu.memory_space<hbm>> -> memref<80xi32, #tpu.memory_space<hbm>>
        tpu.wait_dma2 semaphore(%run_scoped3A : memref<!tpu.dma_semaphore, #tpu.memory_space<semaphore_mem>>) src(%dma_wait3A_66 : memref<80xi32, #tpu.memory_space<hbm>>) dst(%arg15 : memref<80xi32, #tpu.memory_space<vmem>>)
        tpu.yield
      }) : () -> ()
      %dma_start3A = arith.constant 0 : i32
      %dma_start3A_45 = arith.constant 0 : i32
      %dma_start3A_46 = tpu.memref_slice %arg2[%dma_start3A, %dma_start3A_45] : memref<10000x144xf32, #tpu.memory_space<hbm>> -> memref<10000x144xf32, #tpu.memory_space<hbm>>
      tpu.enqueue_indirect_dma source(%dma_start3A_46 : memref<10000x144xf32, #tpu.memory_space<hbm>>) target(%arg10 : memref<80x144xf32, #tpu.memory_space<vmem>>) offsets(%arg13 : memref<80xi32, #tpu.memory_space<vmem>>) semaphore(%arg19 : memref<!tpu.dma_semaphore, #tpu.memory_space<semaphore_mem>>)
      %dma_start3A_47 = arith.constant 0 : i32
      %dma_start3A_48 = arith.constant 0 : i32
      %dma_start3A_49 = tpu.memref_slice %arg3[%dma_start3A_47, %dma_start3A_48] : memref<10000x16xf32, #tpu.memory_space<hbm>> -> memref<10000x16xf32, #tpu.memory_space<hbm>>
      tpu.enqueue_indirect_dma source(%dma_start3A_49 : memref<10000x16xf32, #tpu.memory_space<hbm>>) target(%arg12 : memref<80x16xf32, #tpu.memory_space<vmem>>) offsets(%arg14 : memref<80xi32, #tpu.memory_space<vmem>>) semaphore(%arg20 : memref<!tpu.dma_semaphore, #tpu.memory_space<semaphore_mem>>)
      %dma_wait3A = arith.constant 0 : i32
      %dma_wait3A_50 = arith.constant 0 : i32
      %dma_wait3A_51 = tpu.memref_slice %arg2[%dma_wait3A, %dma_wait3A_50] : memref<10000x144xf32, #tpu.memory_space<hbm>> -> memref<10000x144xf32, #tpu.memory_space<hbm>>
      tpu.wait_indirect_dma semaphore(%arg19 : memref<!tpu.dma_semaphore, #tpu.memory_space<semaphore_mem>>) src(%dma_wait3A_51 : memref<10000x144xf32, #tpu.memory_space<hbm>>) dst(%arg10 : memref<80x144xf32, #tpu.memory_space<vmem>>)
      %dma_wait3A_52 = arith.constant 0 : i32
      %dma_wait3A_53 = arith.constant 0 : i32
      %dma_wait3A_54 = tpu.memref_slice %arg3[%dma_wait3A_52, %dma_wait3A_53] : memref<10000x16xf32, #tpu.memory_space<hbm>> -> memref<10000x16xf32, #tpu.memory_space<hbm>>
      tpu.wait_indirect_dma semaphore(%arg20 : memref<!tpu.dma_semaphore, #tpu.memory_space<semaphore_mem>>) src(%dma_wait3A_54 : memref<10000x16xf32, #tpu.memory_space<hbm>>) dst(%arg12 : memref<80x16xf32, #tpu.memory_space<vmem>>)
      %scan3A_55 = arith.constant 0 : i32
      %scan3A_56 = arith.constant 0 : i32
      %scan3A_57 = arith.constant 80 : i32
      %scan3A_58 = arith.addi %scan3A_56, %scan3A_57 : i32
      %scan3A_59 = arith.constant 1 : i32
      %scan3A_60 = scf.for %scan3A_63 = %scan3A_56 to %scan3A_58 step %scan3A_59 iter_args(%scan3A_64 = %scan3A_55) -> (i32)  : i32 {
        %broadcast_in_dim3A_65 = vector.broadcast %scan3A_63 : i32 to vector<16xi32>
        %get3A = arith.index_cast %scan3A_63 : i32 to index
        %get3A_66 = arith.constant 128 : index
        %get3A_67 = tpu.vector_load %arg10[%get3A, %get3A_66] {strides = array<i32>} : memref<80x144xf32, #tpu.memory_space<vmem>>, vector<16xf32>,
        %get3A_68 = arith.index_cast %scan3A_63 : i32 to index
        %get3A_69 = arith.constant 0 : index
        %get3A_70 = tpu.vector_load %arg12[%get3A_68, %get3A_69] {strides = array<i32>} : memref<80x16xf32, #tpu.memory_space<vmem>>, vector<16xf32>,
        %gather3A = tpu.vector_load_idx %arg15[%broadcast_in_dim3A_65] : memref<80xi32, #tpu.memory_space<vmem>>[vector<16xi32>], vector<16xi32>,
        %gather3A_71 = tpu.vector_load_idx %arg16[%gather3A, %iota3A] : memref<16x16xf32, #tpu.memory_space<vmem>>[vector<16xi32>, vector<16xi32>], vector<16xf32>,
        %add3A_72 = arith.addf %get3A_67, %get3A_70 : vector<16xf32>
        %add3A_73 = arith.addf %add3A_72, %gather3A_71 : vector<16xf32>
        %mul3A_74 = arith.constant 2.000000e-01 : f32
        %mul3A_75 = vector.broadcast %mul3A_74 : f32 to vector<16xf32>
        %mul3A_76 = arith.mulf %mul3A_75, %add3A_73 : vector<16xf32>
        %max3A = arith.maximumf %add3A_73, %mul3A_76 : vector<16xf32>
        %get3A_77 = arith.constant 0 : i32
        %get3A_78 = arith.index_cast %get3A_77 : i32 to index
        %get3A_79 = arith.constant 0 : index
        %get3A_80 = tpu.vector_load %arg17[%get3A_78, %get3A_79] {strides = array<i32>} : memref<1x16xf32, #tpu.memory_space<vmem>>, vector<16xf32>,
        %sub3A = arith.subf %max3A, %get3A_80 : vector<16xf32>
        %exp3A = math.exp %sub3A : vector<16xf32>
        %swap3A = arith.index_cast %scan3A_63 : i32 to index
        %swap3A_81 = arith.constant 128 : index
        %swap3A_82 = tpu.vector_load %arg11[%swap3A, %swap3A_81] {strides = array<i32>} : memref<80x144xf32, #tpu.memory_space<vmem>>, vector<16xf32>,
        tpu.vector_store %arg11[%swap3A, %swap3A_81], %exp3A {strides = array<i32>} : memref<80x144xf32, #tpu.memory_space<vmem>>, vector<16xf32>,
        %broadcast_in_dim3A_83 = arith.constant 128 : i32
        %broadcast_in_dim3A_84 = vector.broadcast %broadcast_in_dim3A_83 : i32 to vector<16xi32>
        %gather3A_85 = tpu.vector_load_idx %arg11[%broadcast_in_dim3A_65, %broadcast_in_dim3A_84] : memref<80x144xf32, #tpu.memory_space<vmem>>[vector<16xi32>, vector<16xi32>], vector<16xf32>,
        %get3A_86 = arith.index_cast %scan3A_63 : i32 to index
        %get3A_87 = arith.constant 0 : index
        %get3A_88 = tpu.vector_load %arg10[%get3A_86, %get3A_87] {strides = array<i32>} : memref<80x144xf32, #tpu.memory_space<vmem>>, vector<16xf32>,
        %mul3A_89 = arith.mulf %get3A_88, %gather3A_85 : vector<16xf32>
        %swap3A_90 = arith.index_cast %scan3A_63 : i32 to index
        %swap3A_91 = arith.constant 0 : index
        %swap3A_92 = tpu.vector_load %arg11[%swap3A_90, %swap3A_91] {strides = array<i32>} : memref<80x144xf32, #tpu.memory_space<vmem>>, vector<16xf32>,
        tpu.vector_store %arg11[%swap3A_90, %swap3A_91], %mul3A_89 {strides = array<i32>} : memref<80x144xf32, #tpu.memory_space<vmem>>, vector<16xf32>,
        %broadcast_in_dim3A_93 = arith.constant 129 : i32
        %broadcast_in_dim3A_94 = vector.broadcast %broadcast_in_dim3A_93 : i32 to vector<16xi32>
        %gather3A_95 = tpu.vector_load_idx %arg11[%broadcast_in_dim3A_65, %broadcast_in_dim3A_94] : memref<80x144xf32, #tpu.memory_space<vmem>>[vector<16xi32>, vector<16xi32>], vector<16xf32>,
        %get3A_96 = arith.index_cast %scan3A_63 : i32 to index
        %get3A_97 = arith.constant 16 : index
        %get3A_98 = tpu.vector_load %arg10[%get3A_96, %get3A_97] {strides = array<i32>} : memref<80x144xf32, #tpu.memory_space<vmem>>, vector<16xf32>,
        %mul3A_99 = arith.mulf %get3A_98, %gather3A_95 : vector<16xf32>
        %swap3A_100 = arith.index_cast %scan3A_63 : i32 to index
        %swap3A_101 = arith.constant 16 : index
        %swap3A_102 = tpu.vector_load %arg11[%swap3A_100, %swap3A_101] {strides = array<i32>} : memref<80x144xf32, #tpu.memory_space<vmem>>, vector<16xf32>,
        tpu.vector_store %arg11[%swap3A_100, %swap3A_101], %mul3A_99 {strides = array<i32>} : memref<80x144xf32, #tpu.memory_space<vmem>>, vector<16xf32>,
        %broadcast_in_dim3A_103 = arith.constant 130 : i32
        %broadcast_in_dim3A_104 = vector.broadcast %broadcast_in_dim3A_103 : i32 to vector<16xi32>
        %gather3A_105 = tpu.vector_load_idx %arg11[%broadcast_in_dim3A_65, %broadcast_in_dim3A_104] : memref<80x144xf32, #tpu.memory_space<vmem>>[vector<16xi32>, vector<16xi32>], vector<16xf32>,
        %get3A_106 = arith.index_cast %scan3A_63 : i32 to index
        %get3A_107 = arith.constant 32 : index
        %get3A_108 = tpu.vector_load %arg10[%get3A_106, %get3A_107] {strides = array<i32>} : memref<80x144xf32, #tpu.memory_space<vmem>>, vector<16xf32>,
        %mul3A_109 = arith.mulf %get3A_108, %gather3A_105 : vector<16xf32>
        %swap3A_110 = arith.index_cast %scan3A_63 : i32 to index
        %swap3A_111 = arith.constant 32 : index
        %swap3A_112 = tpu.vector_load %arg11[%swap3A_110, %swap3A_111] {strides = array<i32>} : memref<80x144xf32, #tpu.memory_space<vmem>>, vector<16xf32>,
        tpu.vector_store %arg11[%swap3A_110, %swap3A_111], %mul3A_109 {strides = array<i32>} : memref<80x144xf32, #tpu.memory_space<vmem>>, vector<16xf32>,
        %broadcast_in_dim3A_113 = arith.constant 131 : i32
        %broadcast_in_dim3A_114 = vector.broadcast %broadcast_in_dim3A_113 : i32 to vector<16xi32>
        %gather3A_115 = tpu.vector_load_idx %arg11[%broadcast_in_dim3A_65, %broadcast_in_dim3A_114] : memref<80x144xf32, #tpu.memory_space<vmem>>[vector<16xi32>, vector<16xi32>], vector<16xf32>,
        %get3A_116 = arith.index_cast %scan3A_63 : i32 to index
        %get3A_117 = arith.constant 48 : index
        %get3A_118 = tpu.vector_load %arg10[%get3A_116, %get3A_117] {strides = array<i32>} : memref<80x144xf32, #tpu.memory_space<vmem>>, vector<16xf32>,
        %mul3A_119 = arith.mulf %get3A_118, %gather3A_115 : vector<16xf32>
        %swap3A_120 = arith.index_cast %scan3A_63 : i32 to index
        %swap3A_121 = arith.constant 48 : index
        %swap3A_122 = tpu.vector_load %arg11[%swap3A_120, %swap3A_121] {strides = array<i32>} : memref<80x144xf32, #tpu.memory_space<vmem>>, vector<16xf32>,
        tpu.vector_store %arg11[%swap3A_120, %swap3A_121], %mul3A_119 {strides = array<i32>} : memref<80x144xf32, #tpu.memory_space<vmem>>, vector<16xf32>,
        %broadcast_in_dim3A_123 = arith.constant 132 : i32
        %broadcast_in_dim3A_124 = vector.broadcast %broadcast_in_dim3A_123 : i32 to vector<16xi32>
        %gather3A_125 = tpu.vector_load_idx %arg11[%broadcast_in_dim3A_65, %broadcast_in_dim3A_124] : memref<80x144xf32, #tpu.memory_space<vmem>>[vector<16xi32>, vector<16xi32>], vector<16xf32>,
        %get3A_126 = arith.index_cast %scan3A_63 : i32 to index
        %get3A_127 = arith.constant 64 : index
        %get3A_128 = tpu.vector_load %arg10[%get3A_126, %get3A_127] {strides = array<i32>} : memref<80x144xf32, #tpu.memory_space<vmem>>, vector<16xf32>,
        %mul3A_129 = arith.mulf %get3A_128, %gather3A_125 : vector<16xf32>
        %swap3A_130 = arith.index_cast %scan3A_63 : i32 to index
        %swap3A_131 = arith.constant 64 : index
        %swap3A_132 = tpu.vector_load %arg11[%swap3A_130, %swap3A_131] {strides = array<i32>} : memref<80x144xf32, #tpu.memory_space<vmem>>, vector<16xf32>,
        tpu.vector_store %arg11[%swap3A_130, %swap3A_131], %mul3A_129 {strides = array<i32>} : memref<80x144xf32, #tpu.memory_space<vmem>>, vector<16xf32>,
        %broadcast_in_dim3A_133 = arith.constant 133 : i32
        %broadcast_in_dim3A_134 = vector.broadcast %broadcast_in_dim3A_133 : i32 to vector<16xi32>
        %gather3A_135 = tpu.vector_load_idx %arg11[%broadcast_in_dim3A_65, %broadcast_in_dim3A_134] : memref<80x144xf32, #tpu.memory_space<vmem>>[vector<16xi32>, vector<16xi32>], vector<16xf32>,
        %get3A_136 = arith.index_cast %scan3A_63 : i32 to index
        %get3A_137 = arith.constant 80 : index
        %get3A_138 = tpu.vector_load %arg10[%get3A_136, %get3A_137] {strides = array<i32>} : memref<80x144xf32, #tpu.memory_space<vmem>>, vector<16xf32>,
        %mul3A_139 = arith.mulf %get3A_138, %gather3A_135 : vector<16xf32>
        %swap3A_140 = arith.index_cast %scan3A_63 : i32 to index
        %swap3A_141 = arith.constant 80 : index
        %swap3A_142 = tpu.vector_load %arg11[%swap3A_140, %swap3A_141] {strides = array<i32>} : memref<80x144xf32, #tpu.memory_space<vmem>>, vector<16xf32>,
        tpu.vector_store %arg11[%swap3A_140, %swap3A_141], %mul3A_139 {strides = array<i32>} : memref<80x144xf32, #tpu.memory_space<vmem>>, vector<16xf32>,
        %broadcast_in_dim3A_143 = arith.constant 134 : i32
        %broadcast_in_dim3A_144 = vector.broadcast %broadcast_in_dim3A_143 : i32 to vector<16xi32>
        %gather3A_145 = tpu.vector_load_idx %arg11[%broadcast_in_dim3A_65, %broadcast_in_dim3A_144] : memref<80x144xf32, #tpu.memory_space<vmem>>[vector<16xi32>, vector<16xi32>], vector<16xf32>,
        %get3A_146 = arith.index_cast %scan3A_63 : i32 to index
        %get3A_147 = arith.constant 96 : index
        %get3A_148 = tpu.vector_load %arg10[%get3A_146, %get3A_147] {strides = array<i32>} : memref<80x144xf32, #tpu.memory_space<vmem>>, vector<16xf32>,
        %mul3A_149 = arith.mulf %get3A_148, %gather3A_145 : vector<16xf32>
        %swap3A_150 = arith.index_cast %scan3A_63 : i32 to index
        %swap3A_151 = arith.constant 96 : index
        %swap3A_152 = tpu.vector_load %arg11[%swap3A_150, %swap3A_151] {strides = array<i32>} : memref<80x144xf32, #tpu.memory_space<vmem>>, vector<16xf32>,
        tpu.vector_store %arg11[%swap3A_150, %swap3A_151], %mul3A_149 {strides = array<i32>} : memref<80x144xf32, #tpu.memory_space<vmem>>, vector<16xf32>,
        %broadcast_in_dim3A_153 = arith.constant 135 : i32
        %broadcast_in_dim3A_154 = vector.broadcast %broadcast_in_dim3A_153 : i32 to vector<16xi32>
        %gather3A_155 = tpu.vector_load_idx %arg11[%broadcast_in_dim3A_65, %broadcast_in_dim3A_154] : memref<80x144xf32, #tpu.memory_space<vmem>>[vector<16xi32>, vector<16xi32>], vector<16xf32>,
        %get3A_156 = arith.index_cast %scan3A_63 : i32 to index
        %get3A_157 = arith.constant 112 : index
        %get3A_158 = tpu.vector_load %arg10[%get3A_156, %get3A_157] {strides = array<i32>} : memref<80x144xf32, #tpu.memory_space<vmem>>, vector<16xf32>,
        %mul3A_159 = arith.mulf %get3A_158, %gather3A_155 : vector<16xf32>
        %swap3A_160 = arith.index_cast %scan3A_63 : i32 to index
        %swap3A_161 = arith.constant 112 : index
        %swap3A_162 = tpu.vector_load %arg11[%swap3A_160, %swap3A_161] {strides = array<i32>} : memref<80x144xf32, #tpu.memory_space<vmem>>, vector<16xf32>,
        tpu.vector_store %arg11[%swap3A_160, %swap3A_161], %mul3A_159 {strides = array<i32>} : memref<80x144xf32, #tpu.memory_space<vmem>>, vector<16xf32>,
        %scan3A_163 = arith.constant 0 : i32
        scf.yield %scan3A_163 : i32
      }
      %scan3A_61 = arith.constant 80 : i32
      "tpu.region"() ({
        %run_scoped3A = tpu.sem_alloc : memref<!tpu.dma_semaphore, #tpu.memory_space<semaphore_mem>>
        %dma_start3A_63 = arith.constant 0 : i32
        %dma_start3A_64 = arith.constant 0 : i32
        %dma_start3A_65 = tpu.memref_slice %arg18[%dma_start3A_63, %dma_start3A_64] : memref<10240x144xf32, #tpu.memory_space<vmem_shared>> -> memref<10240x144xf32, #tpu.memory_space<vmem_shared>>
        tpu.enqueue_indirect_dma source(%arg11 : memref<80x144xf32, #tpu.memory_space<vmem>>) target(%dma_start3A_65 : memref<10240x144xf32, #tpu.memory_space<vmem_shared>>) offsets(%arg14 : memref<80xi32, #tpu.memory_space<vmem>>) semaphore(%run_scoped3A : memref<!tpu.dma_semaphore, #tpu.memory_space<semaphore_mem>>) {add = true}
        %dma_wait3A_66 = arith.constant 0 : i32
        %dma_wait3A_67 = arith.constant 0 : i32
        %dma_wait3A_68 = tpu.memref_slice %arg18[%dma_wait3A_66, %dma_wait3A_67] : memref<10240x144xf32, #tpu.memory_space<vmem_shared>> -> memref<10240x144xf32, #tpu.memory_space<vmem_shared>>
        tpu.wait_indirect_dma semaphore(%run_scoped3A : memref<!tpu.dma_semaphore, #tpu.memory_space<semaphore_mem>>) src(%arg11 : memref<80x144xf32, #tpu.memory_space<vmem>>) dst(%dma_wait3A_68 : memref<10240x144xf32, #tpu.memory_space<vmem_shared>>)
        tpu.yield
      }) : () -> ()
      %scan3A_62 = arith.constant 0 : i32
      scf.yield %scan3A_62 : i32
    }
    %scan3A_34 = arith.constant 125 : i32
    %barrier3A_35 = arith.constant 0 : index
    tpu.barrier barrier_id(%barrier3A_35)
    %mul3A_36 = arith.constant 640 : i32
    %mul3A_37 = arith.muli %arg1, %mul3A_36 : i32
    %mul3A_38 = arith.constant 640 : i32
    %mul3A_39 = arith.muli %arg1, %mul3A_38 : i32
    "tpu.region"() ({
      %run_scoped3A = tpu.sem_alloc : memref<!tpu.dma_semaphore, #tpu.memory_space<semaphore_mem>>
      %dma_start3A = arith.constant 0 : i32
      %dma_start3A_40 = tpu.memref_slice %arg9[%arg0, %mul3A_39, %dma_start3A] : memref<2x10240x144xf32, #tpu.memory_space<hbm>> -> memref<1x640x144xf32, #tpu.memory_space<hbm>>
      %dma_start3A_41 = tpu.memref_squeeze %dma_start3A_40 : memref<1x640x144xf32, #tpu.memory_space<hbm>> -> memref<640x144xf32, #tpu.memory_space<hbm>>
      %dma_start3A_42 = arith.constant 0 : i32
      %dma_start3A_43 = tpu.memref_slice %arg18[%mul3A_37, %dma_start3A_42] : memref<10240x144xf32, #tpu.memory_space<vmem_shared>> -> memref<640x144xf32, #tpu.memory_space<vmem_shared>>
      tpu.enqueue_dma source(%dma_start3A_43 : memref<640x144xf32, #tpu.memory_space<vmem_shared>>) target(%dma_start3A_41 : memref<640x144xf32, #tpu.memory_space<hbm>>) target_semaphore(%run_scoped3A : memref<!tpu.dma_semaphore, #tpu.memory_space<semaphore_mem>>)
      %dma_wait3A = arith.constant 0 : i32
      %dma_wait3A_44 = tpu.memref_slice %arg9[%arg0, %mul3A_39, %dma_wait3A] : memref<2x10240x144xf32, #tpu.memory_space<hbm>> -> memref<1x640x144xf32, #tpu.memory_space<hbm>>
      %dma_wait3A_45 = tpu.memref_squeeze %dma_wait3A_44 : memref<1x640x144xf32, #tpu.memory_space<hbm>> -> memref<640x144xf32, #tpu.memory_space<hbm>>
      %dma_wait3A_46 = arith.constant 0 : i32
      %dma_wait3A_47 = tpu.memref_slice %arg18[%mul3A_37, %dma_wait3A_46] : memref<10240x144xf32, #tpu.memory_space<vmem_shared>> -> memref<640x144xf32, #tpu.memory_space<vmem_shared>>
      tpu.wait_dma2 semaphore(%run_scoped3A : memref<!tpu.dma_semaphore, #tpu.memory_space<semaphore_mem>>) src(%dma_wait3A_47 : memref<640x144xf32, #tpu.memory_space<vmem_shared>>) dst(%dma_wait3A_45 : memref<640x144xf32, #tpu.memory_space<hbm>>)
      tpu.yield
    }) : () -> ()
    return
  }
}

#map = affine_map<(d0, d1) -> (0, 0)>
#map1 = affine_map<(d0, d1) -> (0)>
#map2 = affine_map<(d0, d1) -> (0, 0, 0)>
module attributes {stable_mosaic.version = 14 : i64} {
  func.func @_edge_body(%arg0: i32, %arg1: i32, %arg2: memref<10000x144xf32, #tpu.memory_space<hbm>>, %arg3: memref<10000x16xf32, #tpu.memory_space<hbm>>, %arg4: memref<16x16xf32, #tpu.memory_space<hbm>>, %arg5: memref<1x16xf32, #tpu.memory_space<hbm>>, %arg6: memref<320000xi32, #tpu.memory_space<hbm>>, %arg7: memref<320000xi32, #tpu.memory_space<hbm>>, %arg8: memref<320000xi32, #tpu.memory_space<hbm>>, %arg9: memref<2x10240x144xf32, #tpu.memory_space<hbm>>, %arg10: memref<80x144xf32, #tpu.memory_space<vmem>>, %arg11: memref<80x144xf32, #tpu.memory_space<vmem>>, %arg12: memref<80x16xf32, #tpu.memory_space<vmem>>, %arg13: memref<80xi32, #tpu.memory_space<vmem>>, %arg14: memref<80xi32, #tpu.memory_space<vmem>>, %arg15: memref<80xi32, #tpu.memory_space<vmem>>, %arg16: memref<16x16xf32, #tpu.memory_space<vmem>>, %arg17: memref<1x16xf32, #tpu.memory_space<vmem>>, %arg18: memref<10240x144xf32, #tpu.memory_space<vmem_shared>>, %arg19: memref<!tpu.dma_semaphore, #tpu.memory_space<semaphore_mem>>, %arg20: memref<!tpu.dma_semaphore, #tpu.memory_space<semaphore_mem>>) attributes {dimension_semantics = [#tpu.dimension_semantics<core_parallel>, #tpu.dimension_semantics<subcore_parallel>], iteration_bounds = array<i64: 2, 16>, scalar_prefetch = 0 : i64, scratch_operands = 11 : i64, tpu.core_type = #tpu.core_type<sc_vector_subcore>, window_params = [{transform_indices = #map}, {transform_indices = #map}, {transform_indices = #map}, {transform_indices = #map}, {transform_indices = #map1}, {transform_indices = #map1}, {transform_indices = #map1}, {transform_indices = #map2}]} {
    %mul3A = arith.constant 16 : i32
    %mul3A_0 = arith.muli %arg0, %mul3A : i32
    %add3A = arith.addi %mul3A_0, %arg1 : i32
    "tpu.region"() ({
      %run_scoped3A = tpu.sem_alloc : memref<!tpu.dma_semaphore, #tpu.memory_space<semaphore_mem>>
      tpu.enqueue_dma source(%arg4 : memref<16x16xf32, #tpu.memory_space<hbm>>) target(%arg16 : memref<16x16xf32, #tpu.memory_space<vmem>>) target_semaphore(%run_scoped3A : memref<!tpu.dma_semaphore, #tpu.memory_space<semaphore_mem>>)
      tpu.wait_dma2 semaphore(%run_scoped3A : memref<!tpu.dma_semaphore, #tpu.memory_space<semaphore_mem>>) src(%arg4 : memref<16x16xf32, #tpu.memory_space<hbm>>) dst(%arg16 : memref<16x16xf32, #tpu.memory_space<vmem>>)
      tpu.yield
    }) : () -> ()
    "tpu.region"() ({
      %run_scoped3A = tpu.sem_alloc : memref<!tpu.dma_semaphore, #tpu.memory_space<semaphore_mem>>
      tpu.enqueue_dma source(%arg5 : memref<1x16xf32, #tpu.memory_space<hbm>>) target(%arg17 : memref<1x16xf32, #tpu.memory_space<vmem>>) target_semaphore(%run_scoped3A : memref<!tpu.dma_semaphore, #tpu.memory_space<semaphore_mem>>)
      tpu.wait_dma2 semaphore(%run_scoped3A : memref<!tpu.dma_semaphore, #tpu.memory_space<semaphore_mem>>) src(%arg5 : memref<1x16xf32, #tpu.memory_space<hbm>>) dst(%arg17 : memref<1x16xf32, #tpu.memory_space<vmem>>)
      tpu.yield
    }) : () -> ()
    %broadcast_in_dim3A = arith.constant 0.000000e+00 : f32
    %broadcast_in_dim3A_1 = vector.broadcast %broadcast_in_dim3A : f32 to vector<16xf32>
    %scan3A = arith.constant 0 : i32
    %scan3A_2 = arith.constant 0 : i32
    %scan3A_3 = arith.constant 80 : i32
    %scan3A_4 = arith.addi %scan3A_2, %scan3A_3 : i32
    %scan3A_5 = arith.constant 1 : i32
    %scan3A_6 = scf.for %scan3A_40 = %scan3A_2 to %scan3A_4 step %scan3A_5 iter_args(%scan3A_41 = %scan3A) -> (i32)  : i32 {
      %swap3A = arith.index_cast %scan3A_40 : i32 to index
      %swap3A_42 = arith.constant 0 : index
      %swap3A_43 = tpu.vector_load %arg11[%swap3A, %swap3A_42] {strides = array<i32>} : memref<80x144xf32, #tpu.memory_space<vmem>>, vector<16xf32>,
      tpu.vector_store %arg11[%swap3A, %swap3A_42], %broadcast_in_dim3A_1 {strides = array<i32>} : memref<80x144xf32, #tpu.memory_space<vmem>>, vector<16xf32>,
      %swap3A_44 = arith.index_cast %scan3A_40 : i32 to index
      %swap3A_45 = arith.constant 16 : index
      %swap3A_46 = tpu.vector_load %arg11[%swap3A_44, %swap3A_45] {strides = array<i32>} : memref<80x144xf32, #tpu.memory_space<vmem>>, vector<16xf32>,
      tpu.vector_store %arg11[%swap3A_44, %swap3A_45], %broadcast_in_dim3A_1 {strides = array<i32>} : memref<80x144xf32, #tpu.memory_space<vmem>>, vector<16xf32>,
      %swap3A_47 = arith.index_cast %scan3A_40 : i32 to index
      %swap3A_48 = arith.constant 32 : index
      %swap3A_49 = tpu.vector_load %arg11[%swap3A_47, %swap3A_48] {strides = array<i32>} : memref<80x144xf32, #tpu.memory_space<vmem>>, vector<16xf32>,
      tpu.vector_store %arg11[%swap3A_47, %swap3A_48], %broadcast_in_dim3A_1 {strides = array<i32>} : memref<80x144xf32, #tpu.memory_space<vmem>>, vector<16xf32>,
      %swap3A_50 = arith.index_cast %scan3A_40 : i32 to index
      %swap3A_51 = arith.constant 48 : index
      %swap3A_52 = tpu.vector_load %arg11[%swap3A_50, %swap3A_51] {strides = array<i32>} : memref<80x144xf32, #tpu.memory_space<vmem>>, vector<16xf32>,
      tpu.vector_store %arg11[%swap3A_50, %swap3A_51], %broadcast_in_dim3A_1 {strides = array<i32>} : memref<80x144xf32, #tpu.memory_space<vmem>>, vector<16xf32>,
      %swap3A_53 = arith.index_cast %scan3A_40 : i32 to index
      %swap3A_54 = arith.constant 64 : index
      %swap3A_55 = tpu.vector_load %arg11[%swap3A_53, %swap3A_54] {strides = array<i32>} : memref<80x144xf32, #tpu.memory_space<vmem>>, vector<16xf32>,
      tpu.vector_store %arg11[%swap3A_53, %swap3A_54], %broadcast_in_dim3A_1 {strides = array<i32>} : memref<80x144xf32, #tpu.memory_space<vmem>>, vector<16xf32>,
      %swap3A_56 = arith.index_cast %scan3A_40 : i32 to index
      %swap3A_57 = arith.constant 80 : index
      %swap3A_58 = tpu.vector_load %arg11[%swap3A_56, %swap3A_57] {strides = array<i32>} : memref<80x144xf32, #tpu.memory_space<vmem>>, vector<16xf32>,
      tpu.vector_store %arg11[%swap3A_56, %swap3A_57], %broadcast_in_dim3A_1 {strides = array<i32>} : memref<80x144xf32, #tpu.memory_space<vmem>>, vector<16xf32>,
      %swap3A_59 = arith.index_cast %scan3A_40 : i32 to index
      %swap3A_60 = arith.constant 96 : index
      %swap3A_61 = tpu.vector_load %arg11[%swap3A_59, %swap3A_60] {strides = array<i32>} : memref<80x144xf32, #tpu.memory_space<vmem>>, vector<16xf32>,
      tpu.vector_store %arg11[%swap3A_59, %swap3A_60], %broadcast_in_dim3A_1 {strides = array<i32>} : memref<80x144xf32, #tpu.memory_space<vmem>>, vector<16xf32>,
      %swap3A_62 = arith.index_cast %scan3A_40 : i32 to index
      %swap3A_63 = arith.constant 112 : index
      %swap3A_64 = tpu.vector_load %arg11[%swap3A_62, %swap3A_63] {strides = array<i32>} : memref<80x144xf32, #tpu.memory_space<vmem>>, vector<16xf32>,
      tpu.vector_store %arg11[%swap3A_62, %swap3A_63], %broadcast_in_dim3A_1 {strides = array<i32>} : memref<80x144xf32, #tpu.memory_space<vmem>>, vector<16xf32>,
      %swap3A_65 = arith.index_cast %scan3A_40 : i32 to index
      %swap3A_66 = arith.constant 128 : index
      %swap3A_67 = tpu.vector_load %arg11[%swap3A_65, %swap3A_66] {strides = array<i32>} : memref<80x144xf32, #tpu.memory_space<vmem>>, vector<16xf32>,
      tpu.vector_store %arg11[%swap3A_65, %swap3A_66], %broadcast_in_dim3A_1 {strides = array<i32>} : memref<80x144xf32, #tpu.memory_space<vmem>>, vector<16xf32>,
      %scan3A_68 = arith.constant 0 : i32
      scf.yield %scan3A_68 : i32
    }
    %scan3A_7 = arith.constant 80 : i32
    %mul3A_8 = arith.constant 640 : i32
    %mul3A_9 = arith.muli %arg1, %mul3A_8 : i32
    %add3A_10 = arith.constant 0 : i32
    %add3A_11 = arith.addi %mul3A_9, %add3A_10 : i32
    "tpu.region"() ({
      %run_scoped3A = tpu.sem_alloc : memref<!tpu.dma_semaphore, #tpu.memory_space<semaphore_mem>>
      %dma_start3A = arith.constant 0 : i32
      %dma_start3A_40 = tpu.memref_slice %arg18[%add3A_11, %dma_start3A] : memref<10240x144xf32, #tpu.memory_space<vmem_shared>> -> memref<80x144xf32, #tpu.memory_space<vmem_shared>>
      %dma_start3A_41 = arith.constant 0 : i32
      %dma_start3A_42 = tpu.memref_slice %arg18[%add3A_11, %dma_start3A_41] : memref<10240x144xf32, #tpu.memory_space<vmem_shared>> -> memref<80x144xf32, #tpu.memory_space<vmem_shared>>
      tpu.enqueue_dma source(%arg11 : memref<80x144xf32, #tpu.memory_space<vmem>>) target(%dma_start3A_42 : memref<80x144xf32, #tpu.memory_space<vmem_shared>>) target_semaphore(%run_scoped3A : memref<!tpu.dma_semaphore, #tpu.memory_space<semaphore_mem>>)
      %dma_wait3A = arith.constant 0 : i32
      %dma_wait3A_43 = tpu.memref_slice %arg18[%add3A_11, %dma_wait3A] : memref<10240x144xf32, #tpu.memory_space<vmem_shared>> -> memref<80x144xf32, #tpu.memory_space<vmem_shared>>
      %dma_wait3A_44 = arith.constant 0 : i32
      %dma_wait3A_45 = tpu.memref_slice %arg18[%add3A_11, %dma_wait3A_44] : memref<10240x144xf32, #tpu.memory_space<vmem_shared>> -> memref<80x144xf32, #tpu.memory_space<vmem_shared>>
      tpu.wait_dma2 semaphore(%run_scoped3A : memref<!tpu.dma_semaphore, #tpu.memory_space<semaphore_mem>>) src(%arg11 : memref<80x144xf32, #tpu.memory_space<vmem>>) dst(%dma_wait3A_45 : memref<80x144xf32, #tpu.memory_space<vmem_shared>>)
      tpu.yield
    }) : () -> ()
    %add3A_12 = arith.constant 80 : i32
    %add3A_13 = arith.addi %mul3A_9, %add3A_12 : i32
    "tpu.region"() ({
      %run_scoped3A = tpu.sem_alloc : memref<!tpu.dma_semaphore, #tpu.memory_space<semaphore_mem>>
      %dma_start3A = arith.constant 0 : i32
      %dma_start3A_40 = tpu.memref_slice %arg18[%add3A_13, %dma_start3A] : memref<10240x144xf32, #tpu.memory_space<vmem_shared>> -> memref<80x144xf32, #tpu.memory_space<vmem_shared>>
      %dma_start3A_41 = arith.constant 0 : i32
      %dma_start3A_42 = tpu.memref_slice %arg18[%add3A_13, %dma_start3A_41] : memref<10240x144xf32, #tpu.memory_space<vmem_shared>> -> memref<80x144xf32, #tpu.memory_space<vmem_shared>>
      tpu.enqueue_dma source(%arg11 : memref<80x144xf32, #tpu.memory_space<vmem>>) target(%dma_start3A_42 : memref<80x144xf32, #tpu.memory_space<vmem_shared>>) target_semaphore(%run_scoped3A : memref<!tpu.dma_semaphore, #tpu.memory_space<semaphore_mem>>)
      %dma_wait3A = arith.constant 0 : i32
      %dma_wait3A_43 = tpu.memref_slice %arg18[%add3A_13, %dma_wait3A] : memref<10240x144xf32, #tpu.memory_space<vmem_shared>> -> memref<80x144xf32, #tpu.memory_space<vmem_shared>>
      %dma_wait3A_44 = arith.constant 0 : i32
      %dma_wait3A_45 = tpu.memref_slice %arg18[%add3A_13, %dma_wait3A_44] : memref<10240x144xf32, #tpu.memory_space<vmem_shared>> -> memref<80x144xf32, #tpu.memory_space<vmem_shared>>
      tpu.wait_dma2 semaphore(%run_scoped3A : memref<!tpu.dma_semaphore, #tpu.memory_space<semaphore_mem>>) src(%arg11 : memref<80x144xf32, #tpu.memory_space<vmem>>) dst(%dma_wait3A_45 : memref<80x144xf32, #tpu.memory_space<vmem_shared>>)
      tpu.yield
    }) : () -> ()
    %add3A_14 = arith.constant 160 : i32
    %add3A_15 = arith.addi %mul3A_9, %add3A_14 : i32
    "tpu.region"() ({
      %run_scoped3A = tpu.sem_alloc : memref<!tpu.dma_semaphore, #tpu.memory_space<semaphore_mem>>
      %dma_start3A = arith.constant 0 : i32
      %dma_start3A_40 = tpu.memref_slice %arg18[%add3A_15, %dma_start3A] : memref<10240x144xf32, #tpu.memory_space<vmem_shared>> -> memref<80x144xf32, #tpu.memory_space<vmem_shared>>
      %dma_start3A_41 = arith.constant 0 : i32
      %dma_start3A_42 = tpu.memref_slice %arg18[%add3A_15, %dma_start3A_41] : memref<10240x144xf32, #tpu.memory_space<vmem_shared>> -> memref<80x144xf32, #tpu.memory_space<vmem_shared>>
      tpu.enqueue_dma source(%arg11 : memref<80x144xf32, #tpu.memory_space<vmem>>) target(%dma_start3A_42 : memref<80x144xf32, #tpu.memory_space<vmem_shared>>) target_semaphore(%run_scoped3A : memref<!tpu.dma_semaphore, #tpu.memory_space<semaphore_mem>>)
      %dma_wait3A = arith.constant 0 : i32
      %dma_wait3A_43 = tpu.memref_slice %arg18[%add3A_15, %dma_wait3A] : memref<10240x144xf32, #tpu.memory_space<vmem_shared>> -> memref<80x144xf32, #tpu.memory_space<vmem_shared>>
      %dma_wait3A_44 = arith.constant 0 : i32
      %dma_wait3A_45 = tpu.memref_slice %arg18[%add3A_15, %dma_wait3A_44] : memref<10240x144xf32, #tpu.memory_space<vmem_shared>> -> memref<80x144xf32, #tpu.memory_space<vmem_shared>>
      tpu.wait_dma2 semaphore(%run_scoped3A : memref<!tpu.dma_semaphore, #tpu.memory_space<semaphore_mem>>) src(%arg11 : memref<80x144xf32, #tpu.memory_space<vmem>>) dst(%dma_wait3A_45 : memref<80x144xf32, #tpu.memory_space<vmem_shared>>)
      tpu.yield
    }) : () -> ()
    %add3A_16 = arith.constant 240 : i32
    %add3A_17 = arith.addi %mul3A_9, %add3A_16 : i32
    "tpu.region"() ({
      %run_scoped3A = tpu.sem_alloc : memref<!tpu.dma_semaphore, #tpu.memory_space<semaphore_mem>>
      %dma_start3A = arith.constant 0 : i32
      %dma_start3A_40 = tpu.memref_slice %arg18[%add3A_17, %dma_start3A] : memref<10240x144xf32, #tpu.memory_space<vmem_shared>> -> memref<80x144xf32, #tpu.memory_space<vmem_shared>>
      %dma_start3A_41 = arith.constant 0 : i32
      %dma_start3A_42 = tpu.memref_slice %arg18[%add3A_17, %dma_start3A_41] : memref<10240x144xf32, #tpu.memory_space<vmem_shared>> -> memref<80x144xf32, #tpu.memory_space<vmem_shared>>
      tpu.enqueue_dma source(%arg11 : memref<80x144xf32, #tpu.memory_space<vmem>>) target(%dma_start3A_42 : memref<80x144xf32, #tpu.memory_space<vmem_shared>>) target_semaphore(%run_scoped3A : memref<!tpu.dma_semaphore, #tpu.memory_space<semaphore_mem>>)
      %dma_wait3A = arith.constant 0 : i32
      %dma_wait3A_43 = tpu.memref_slice %arg18[%add3A_17, %dma_wait3A] : memref<10240x144xf32, #tpu.memory_space<vmem_shared>> -> memref<80x144xf32, #tpu.memory_space<vmem_shared>>
      %dma_wait3A_44 = arith.constant 0 : i32
      %dma_wait3A_45 = tpu.memref_slice %arg18[%add3A_17, %dma_wait3A_44] : memref<10240x144xf32, #tpu.memory_space<vmem_shared>> -> memref<80x144xf32, #tpu.memory_space<vmem_shared>>
      tpu.wait_dma2 semaphore(%run_scoped3A : memref<!tpu.dma_semaphore, #tpu.memory_space<semaphore_mem>>) src(%arg11 : memref<80x144xf32, #tpu.memory_space<vmem>>) dst(%dma_wait3A_45 : memref<80x144xf32, #tpu.memory_space<vmem_shared>>)
      tpu.yield
    }) : () -> ()
    %add3A_18 = arith.constant 320 : i32
    %add3A_19 = arith.addi %mul3A_9, %add3A_18 : i32
    "tpu.region"() ({
      %run_scoped3A = tpu.sem_alloc : memref<!tpu.dma_semaphore, #tpu.memory_space<semaphore_mem>>
      %dma_start3A = arith.constant 0 : i32
      %dma_start3A_40 = tpu.memref_slice %arg18[%add3A_19, %dma_start3A] : memref<10240x144xf32, #tpu.memory_space<vmem_shared>> -> memref<80x144xf32, #tpu.memory_space<vmem_shared>>
      %dma_start3A_41 = arith.constant 0 : i32
      %dma_start3A_42 = tpu.memref_slice %arg18[%add3A_19, %dma_start3A_41] : memref<10240x144xf32, #tpu.memory_space<vmem_shared>> -> memref<80x144xf32, #tpu.memory_space<vmem_shared>>
      tpu.enqueue_dma source(%arg11 : memref<80x144xf32, #tpu.memory_space<vmem>>) target(%dma_start3A_42 : memref<80x144xf32, #tpu.memory_space<vmem_shared>>) target_semaphore(%run_scoped3A : memref<!tpu.dma_semaphore, #tpu.memory_space<semaphore_mem>>)
      %dma_wait3A = arith.constant 0 : i32
      %dma_wait3A_43 = tpu.memref_slice %arg18[%add3A_19, %dma_wait3A] : memref<10240x144xf32, #tpu.memory_space<vmem_shared>> -> memref<80x144xf32, #tpu.memory_space<vmem_shared>>
      %dma_wait3A_44 = arith.constant 0 : i32
      %dma_wait3A_45 = tpu.memref_slice %arg18[%add3A_19, %dma_wait3A_44] : memref<10240x144xf32, #tpu.memory_space<vmem_shared>> -> memref<80x144xf32, #tpu.memory_space<vmem_shared>>
      tpu.wait_dma2 semaphore(%run_scoped3A : memref<!tpu.dma_semaphore, #tpu.memory_space<semaphore_mem>>) src(%arg11 : memref<80x144xf32, #tpu.memory_space<vmem>>) dst(%dma_wait3A_45 : memref<80x144xf32, #tpu.memory_space<vmem_shared>>)
      tpu.yield
    }) : () -> ()
    %add3A_20 = arith.constant 400 : i32
    %add3A_21 = arith.addi %mul3A_9, %add3A_20 : i32
    "tpu.region"() ({
      %run_scoped3A = tpu.sem_alloc : memref<!tpu.dma_semaphore, #tpu.memory_space<semaphore_mem>>
      %dma_start3A = arith.constant 0 : i32
      %dma_start3A_40 = tpu.memref_slice %arg18[%add3A_21, %dma_start3A] : memref<10240x144xf32, #tpu.memory_space<vmem_shared>> -> memref<80x144xf32, #tpu.memory_space<vmem_shared>>
      %dma_start3A_41 = arith.constant 0 : i32
      %dma_start3A_42 = tpu.memref_slice %arg18[%add3A_21, %dma_start3A_41] : memref<10240x144xf32, #tpu.memory_space<vmem_shared>> -> memref<80x144xf32, #tpu.memory_space<vmem_shared>>
      tpu.enqueue_dma source(%arg11 : memref<80x144xf32, #tpu.memory_space<vmem>>) target(%dma_start3A_42 : memref<80x144xf32, #tpu.memory_space<vmem_shared>>) target_semaphore(%run_scoped3A : memref<!tpu.dma_semaphore, #tpu.memory_space<semaphore_mem>>)
      %dma_wait3A = arith.constant 0 : i32
      %dma_wait3A_43 = tpu.memref_slice %arg18[%add3A_21, %dma_wait3A] : memref<10240x144xf32, #tpu.memory_space<vmem_shared>> -> memref<80x144xf32, #tpu.memory_space<vmem_shared>>
      %dma_wait3A_44 = arith.constant 0 : i32
      %dma_wait3A_45 = tpu.memref_slice %arg18[%add3A_21, %dma_wait3A_44] : memref<10240x144xf32, #tpu.memory_space<vmem_shared>> -> memref<80x144xf32, #tpu.memory_space<vmem_shared>>
      tpu.wait_dma2 semaphore(%run_scoped3A : memref<!tpu.dma_semaphore, #tpu.memory_space<semaphore_mem>>) src(%arg11 : memref<80x144xf32, #tpu.memory_space<vmem>>) dst(%dma_wait3A_45 : memref<80x144xf32, #tpu.memory_space<vmem_shared>>)
      tpu.yield
    }) : () -> ()
    %add3A_22 = arith.constant 480 : i32
    %add3A_23 = arith.addi %mul3A_9, %add3A_22 : i32
    "tpu.region"() ({
      %run_scoped3A = tpu.sem_alloc : memref<!tpu.dma_semaphore, #tpu.memory_space<semaphore_mem>>
      %dma_start3A = arith.constant 0 : i32
      %dma_start3A_40 = tpu.memref_slice %arg18[%add3A_23, %dma_start3A] : memref<10240x144xf32, #tpu.memory_space<vmem_shared>> -> memref<80x144xf32, #tpu.memory_space<vmem_shared>>
      %dma_start3A_41 = arith.constant 0 : i32
      %dma_start3A_42 = tpu.memref_slice %arg18[%add3A_23, %dma_start3A_41] : memref<10240x144xf32, #tpu.memory_space<vmem_shared>> -> memref<80x144xf32, #tpu.memory_space<vmem_shared>>
      tpu.enqueue_dma source(%arg11 : memref<80x144xf32, #tpu.memory_space<vmem>>) target(%dma_start3A_42 : memref<80x144xf32, #tpu.memory_space<vmem_shared>>) target_semaphore(%run_scoped3A : memref<!tpu.dma_semaphore, #tpu.memory_space<semaphore_mem>>)
      %dma_wait3A = arith.constant 0 : i32
      %dma_wait3A_43 = tpu.memref_slice %arg18[%add3A_23, %dma_wait3A] : memref<10240x144xf32, #tpu.memory_space<vmem_shared>> -> memref<80x144xf32, #tpu.memory_space<vmem_shared>>
      %dma_wait3A_44 = arith.constant 0 : i32
      %dma_wait3A_45 = tpu.memref_slice %arg18[%add3A_23, %dma_wait3A_44] : memref<10240x144xf32, #tpu.memory_space<vmem_shared>> -> memref<80x144xf32, #tpu.memory_space<vmem_shared>>
      tpu.wait_dma2 semaphore(%run_scoped3A : memref<!tpu.dma_semaphore, #tpu.memory_space<semaphore_mem>>) src(%arg11 : memref<80x144xf32, #tpu.memory_space<vmem>>) dst(%dma_wait3A_45 : memref<80x144xf32, #tpu.memory_space<vmem_shared>>)
      tpu.yield
    }) : () -> ()
    %add3A_24 = arith.constant 560 : i32
    %add3A_25 = arith.addi %mul3A_9, %add3A_24 : i32
    "tpu.region"() ({
      %run_scoped3A = tpu.sem_alloc : memref<!tpu.dma_semaphore, #tpu.memory_space<semaphore_mem>>
      %dma_start3A = arith.constant 0 : i32
      %dma_start3A_40 = tpu.memref_slice %arg18[%add3A_25, %dma_start3A] : memref<10240x144xf32, #tpu.memory_space<vmem_shared>> -> memref<80x144xf32, #tpu.memory_space<vmem_shared>>
      %dma_start3A_41 = arith.constant 0 : i32
      %dma_start3A_42 = tpu.memref_slice %arg18[%add3A_25, %dma_start3A_41] : memref<10240x144xf32, #tpu.memory_space<vmem_shared>> -> memref<80x144xf32, #tpu.memory_space<vmem_shared>>
      tpu.enqueue_dma source(%arg11 : memref<80x144xf32, #tpu.memory_space<vmem>>) target(%dma_start3A_42 : memref<80x144xf32, #tpu.memory_space<vmem_shared>>) target_semaphore(%run_scoped3A : memref<!tpu.dma_semaphore, #tpu.memory_space<semaphore_mem>>)
      %dma_wait3A = arith.constant 0 : i32
      %dma_wait3A_43 = tpu.memref_slice %arg18[%add3A_25, %dma_wait3A] : memref<10240x144xf32, #tpu.memory_space<vmem_shared>> -> memref<80x144xf32, #tpu.memory_space<vmem_shared>>
      %dma_wait3A_44 = arith.constant 0 : i32
      %dma_wait3A_45 = tpu.memref_slice %arg18[%add3A_25, %dma_wait3A_44] : memref<10240x144xf32, #tpu.memory_space<vmem_shared>> -> memref<80x144xf32, #tpu.memory_space<vmem_shared>>
      tpu.wait_dma2 semaphore(%run_scoped3A : memref<!tpu.dma_semaphore, #tpu.memory_space<semaphore_mem>>) src(%arg11 : memref<80x144xf32, #tpu.memory_space<vmem>>) dst(%dma_wait3A_45 : memref<80x144xf32, #tpu.memory_space<vmem_shared>>)
      tpu.yield
    }) : () -> ()
    %barrier3A = arith.constant 0 : index
    tpu.barrier barrier_id(%barrier3A)
    %iota3A = tpu.iota {dimensions = array<i32: 0>} : vector<16xi32>
    %mul3A_26 = arith.constant 10000 : i32
    %mul3A_27 = arith.muli %add3A, %mul3A_26 : i32
    %scan3A_28 = arith.constant 0 : i32
    %scan3A_29 = arith.constant 0 : i32
    %scan3A_30 = arith.constant 125 : i32
    %scan3A_31 = arith.addi %scan3A_29, %scan3A_30 : i32
    %scan3A_32 = arith.constant 1 : i32
    %scan3A_33 = scf.for %scan3A_40 = %scan3A_29 to %scan3A_31 step %scan3A_32 iter_args(%scan3A_41 = %scan3A_28) -> (i32)  : i32 {
      %mul3A_42 = arith.constant 80 : i32
      %mul3A_43 = arith.muli %scan3A_40, %mul3A_42 : i32
      %add3A_44 = arith.addi %mul3A_27, %mul3A_43 : i32
      "tpu.region"() ({
        %run_scoped3A = tpu.sem_alloc : memref<!tpu.dma_semaphore, #tpu.memory_space<semaphore_mem>>
        %dma_start3A_63 = tpu.memref_slice %arg6[%add3A_44] : memref<320000xi32, #tpu.memory_space<hbm>> -> memref<80xi32, #tpu.memory_space<hbm>>
        %dma_start3A_64 = tpu.memref_slice %arg6[%add3A_44] : memref<320000xi32, #tpu.memory_space<hbm>> -> memref<80xi32, #tpu.memory_space<hbm>>
        tpu.enqueue_dma source(%dma_start3A_64 : memref<80xi32, #tpu.memory_space<hbm>>) target(%arg13 : memref<80xi32, #tpu.memory_space<vmem>>) target_semaphore(%run_scoped3A : memref<!tpu.dma_semaphore, #tpu.memory_space<semaphore_mem>>)
        %dma_wait3A_65 = tpu.memref_slice %arg6[%add3A_44] : memref<320000xi32, #tpu.memory_space<hbm>> -> memref<80xi32, #tpu.memory_space<hbm>>
        %dma_wait3A_66 = tpu.memref_slice %arg6[%add3A_44] : memref<320000xi32, #tpu.memory_space<hbm>> -> memref<80xi32, #tpu.memory_space<hbm>>
        tpu.wait_dma2 semaphore(%run_scoped3A : memref<!tpu.dma_semaphore, #tpu.memory_space<semaphore_mem>>) src(%dma_wait3A_66 : memref<80xi32, #tpu.memory_space<hbm>>) dst(%arg13 : memref<80xi32, #tpu.memory_space<vmem>>)
        tpu.yield
      }) : () -> ()
      "tpu.region"() ({
        %run_scoped3A = tpu.sem_alloc : memref<!tpu.dma_semaphore, #tpu.memory_space<semaphore_mem>>
        %dma_start3A_63 = tpu.memref_slice %arg7[%add3A_44] : memref<320000xi32, #tpu.memory_space<hbm>> -> memref<80xi32, #tpu.memory_space<hbm>>
        %dma_start3A_64 = tpu.memref_slice %arg7[%add3A_44] : memref<320000xi32, #tpu.memory_space<hbm>> -> memref<80xi32, #tpu.memory_space<hbm>>
        tpu.enqueue_dma source(%dma_start3A_64 : memref<80xi32, #tpu.memory_space<hbm>>) target(%arg14 : memref<80xi32, #tpu.memory_space<vmem>>) target_semaphore(%run_scoped3A : memref<!tpu.dma_semaphore, #tpu.memory_space<semaphore_mem>>)
        %dma_wait3A_65 = tpu.memref_slice %arg7[%add3A_44] : memref<320000xi32, #tpu.memory_space<hbm>> -> memref<80xi32, #tpu.memory_space<hbm>>
        %dma_wait3A_66 = tpu.memref_slice %arg7[%add3A_44] : memref<320000xi32, #tpu.memory_space<hbm>> -> memref<80xi32, #tpu.memory_space<hbm>>
        tpu.wait_dma2 semaphore(%run_scoped3A : memref<!tpu.dma_semaphore, #tpu.memory_space<semaphore_mem>>) src(%dma_wait3A_66 : memref<80xi32, #tpu.memory_space<hbm>>) dst(%arg14 : memref<80xi32, #tpu.memory_space<vmem>>)
        tpu.yield
      }) : () -> ()
      "tpu.region"() ({
        %run_scoped3A = tpu.sem_alloc : memref<!tpu.dma_semaphore, #tpu.memory_space<semaphore_mem>>
        %dma_start3A_63 = tpu.memref_slice %arg8[%add3A_44] : memref<320000xi32, #tpu.memory_space<hbm>> -> memref<80xi32, #tpu.memory_space<hbm>>
        %dma_start3A_64 = tpu.memref_slice %arg8[%add3A_44] : memref<320000xi32, #tpu.memory_space<hbm>> -> memref<80xi32, #tpu.memory_space<hbm>>
        tpu.enqueue_dma source(%dma_start3A_64 : memref<80xi32, #tpu.memory_space<hbm>>) target(%arg15 : memref<80xi32, #tpu.memory_space<vmem>>) target_semaphore(%run_scoped3A : memref<!tpu.dma_semaphore, #tpu.memory_space<semaphore_mem>>)
        %dma_wait3A_65 = tpu.memref_slice %arg8[%add3A_44] : memref<320000xi32, #tpu.memory_space<hbm>> -> memref<80xi32, #tpu.memory_space<hbm>>
        %dma_wait3A_66 = tpu.memref_slice %arg8[%add3A_44] : memref<320000xi32, #tpu.memory_space<hbm>> -> memref<80xi32, #tpu.memory_space<hbm>>
        tpu.wait_dma2 semaphore(%run_scoped3A : memref<!tpu.dma_semaphore, #tpu.memory_space<semaphore_mem>>) src(%dma_wait3A_66 : memref<80xi32, #tpu.memory_space<hbm>>) dst(%arg15 : memref<80xi32, #tpu.memory_space<vmem>>)
        tpu.yield
      }) : () -> ()
      %dma_start3A = arith.constant 0 : i32
      %dma_start3A_45 = arith.constant 0 : i32
      %dma_start3A_46 = tpu.memref_slice %arg2[%dma_start3A, %dma_start3A_45] : memref<10000x144xf32, #tpu.memory_space<hbm>> -> memref<10000x144xf32, #tpu.memory_space<hbm>>
      tpu.enqueue_indirect_dma source(%dma_start3A_46 : memref<10000x144xf32, #tpu.memory_space<hbm>>) target(%arg10 : memref<80x144xf32, #tpu.memory_space<vmem>>) offsets(%arg13 : memref<80xi32, #tpu.memory_space<vmem>>) semaphore(%arg19 : memref<!tpu.dma_semaphore, #tpu.memory_space<semaphore_mem>>)
      %dma_start3A_47 = arith.constant 0 : i32
      %dma_start3A_48 = arith.constant 0 : i32
      %dma_start3A_49 = tpu.memref_slice %arg3[%dma_start3A_47, %dma_start3A_48] : memref<10000x16xf32, #tpu.memory_space<hbm>> -> memref<10000x16xf32, #tpu.memory_space<hbm>>
      tpu.enqueue_indirect_dma source(%dma_start3A_49 : memref<10000x16xf32, #tpu.memory_space<hbm>>) target(%arg12 : memref<80x16xf32, #tpu.memory_space<vmem>>) offsets(%arg14 : memref<80xi32, #tpu.memory_space<vmem>>) semaphore(%arg20 : memref<!tpu.dma_semaphore, #tpu.memory_space<semaphore_mem>>)
      %dma_wait3A = arith.constant 0 : i32
      %dma_wait3A_50 = arith.constant 0 : i32
      %dma_wait3A_51 = tpu.memref_slice %arg2[%dma_wait3A, %dma_wait3A_50] : memref<10000x144xf32, #tpu.memory_space<hbm>> -> memref<10000x144xf32, #tpu.memory_space<hbm>>
      tpu.wait_indirect_dma semaphore(%arg19 : memref<!tpu.dma_semaphore, #tpu.memory_space<semaphore_mem>>) src(%dma_wait3A_51 : memref<10000x144xf32, #tpu.memory_space<hbm>>) dst(%arg10 : memref<80x144xf32, #tpu.memory_space<vmem>>)
      %dma_wait3A_52 = arith.constant 0 : i32
      %dma_wait3A_53 = arith.constant 0 : i32
      %dma_wait3A_54 = tpu.memref_slice %arg3[%dma_wait3A_52, %dma_wait3A_53] : memref<10000x16xf32, #tpu.memory_space<hbm>> -> memref<10000x16xf32, #tpu.memory_space<hbm>>
      tpu.wait_indirect_dma semaphore(%arg20 : memref<!tpu.dma_semaphore, #tpu.memory_space<semaphore_mem>>) src(%dma_wait3A_54 : memref<10000x16xf32, #tpu.memory_space<hbm>>) dst(%arg12 : memref<80x16xf32, #tpu.memory_space<vmem>>)
      %scan3A_55 = arith.constant 0 : i32
      %scan3A_56 = arith.constant 0 : i32
      %scan3A_57 = arith.constant 80 : i32
      %scan3A_58 = arith.addi %scan3A_56, %scan3A_57 : i32
      %scan3A_59 = arith.constant 1 : i32
      %scan3A_60 = scf.for %scan3A_63 = %scan3A_56 to %scan3A_58 step %scan3A_59 iter_args(%scan3A_64 = %scan3A_55) -> (i32)  : i32 {
        %broadcast_in_dim3A_65 = vector.broadcast %scan3A_63 : i32 to vector<16xi32>
        %get3A = arith.index_cast %scan3A_63 : i32 to index
        %get3A_66 = arith.constant 128 : index
        %get3A_67 = tpu.vector_load %arg10[%get3A, %get3A_66] {strides = array<i32>} : memref<80x144xf32, #tpu.memory_space<vmem>>, vector<16xf32>,
        %get3A_68 = arith.index_cast %scan3A_63 : i32 to index
        %get3A_69 = arith.constant 0 : index
        %get3A_70 = tpu.vector_load %arg12[%get3A_68, %get3A_69] {strides = array<i32>} : memref<80x16xf32, #tpu.memory_space<vmem>>, vector<16xf32>,
        %gather3A = tpu.vector_load_idx %arg15[%broadcast_in_dim3A_65] : memref<80xi32, #tpu.memory_space<vmem>>[vector<16xi32>], vector<16xi32>,
        %gather3A_71 = tpu.vector_load_idx %arg16[%gather3A, %iota3A] : memref<16x16xf32, #tpu.memory_space<vmem>>[vector<16xi32>, vector<16xi32>], vector<16xf32>,
        %add3A_72 = arith.addf %get3A_67, %get3A_70 : vector<16xf32>
        %add3A_73 = arith.addf %add3A_72, %gather3A_71 : vector<16xf32>
        %mul3A_74 = arith.constant 2.000000e-01 : f32
        %mul3A_75 = vector.broadcast %mul3A_74 : f32 to vector<16xf32>
        %mul3A_76 = arith.mulf %mul3A_75, %add3A_73 : vector<16xf32>
        %max3A = arith.maximumf %add3A_73, %mul3A_76 : vector<16xf32>
        %get3A_77 = arith.constant 0 : i32
        %get3A_78 = arith.index_cast %get3A_77 : i32 to index
        %get3A_79 = arith.constant 0 : index
        %get3A_80 = tpu.vector_load %arg17[%get3A_78, %get3A_79] {strides = array<i32>} : memref<1x16xf32, #tpu.memory_space<vmem>>, vector<16xf32>,
        %sub3A = arith.subf %max3A, %get3A_80 : vector<16xf32>
        %exp3A = math.exp %sub3A : vector<16xf32>
        %swap3A = arith.index_cast %scan3A_63 : i32 to index
        %swap3A_81 = arith.constant 128 : index
        %swap3A_82 = tpu.vector_load %arg11[%swap3A, %swap3A_81] {strides = array<i32>} : memref<80x144xf32, #tpu.memory_space<vmem>>, vector<16xf32>,
        tpu.vector_store %arg11[%swap3A, %swap3A_81], %exp3A {strides = array<i32>} : memref<80x144xf32, #tpu.memory_space<vmem>>, vector<16xf32>,
        %broadcast_in_dim3A_83 = arith.constant 128 : i32
        %broadcast_in_dim3A_84 = vector.broadcast %broadcast_in_dim3A_83 : i32 to vector<16xi32>
        %gather3A_85 = tpu.vector_load_idx %arg11[%broadcast_in_dim3A_65, %broadcast_in_dim3A_84] : memref<80x144xf32, #tpu.memory_space<vmem>>[vector<16xi32>, vector<16xi32>], vector<16xf32>,
        %get3A_86 = arith.index_cast %scan3A_63 : i32 to index
        %get3A_87 = arith.constant 0 : index
        %get3A_88 = tpu.vector_load %arg10[%get3A_86, %get3A_87] {strides = array<i32>} : memref<80x144xf32, #tpu.memory_space<vmem>>, vector<16xf32>,
        %mul3A_89 = arith.mulf %get3A_88, %gather3A_85 : vector<16xf32>
        %swap3A_90 = arith.index_cast %scan3A_63 : i32 to index
        %swap3A_91 = arith.constant 0 : index
        %swap3A_92 = tpu.vector_load %arg11[%swap3A_90, %swap3A_91] {strides = array<i32>} : memref<80x144xf32, #tpu.memory_space<vmem>>, vector<16xf32>,
        tpu.vector_store %arg11[%swap3A_90, %swap3A_91], %mul3A_89 {strides = array<i32>} : memref<80x144xf32, #tpu.memory_space<vmem>>, vector<16xf32>,
        %broadcast_in_dim3A_93 = arith.constant 129 : i32
        %broadcast_in_dim3A_94 = vector.broadcast %broadcast_in_dim3A_93 : i32 to vector<16xi32>
        %gather3A_95 = tpu.vector_load_idx %arg11[%broadcast_in_dim3A_65, %broadcast_in_dim3A_94] : memref<80x144xf32, #tpu.memory_space<vmem>>[vector<16xi32>, vector<16xi32>], vector<16xf32>,
        %get3A_96 = arith.index_cast %scan3A_63 : i32 to index
        %get3A_97 = arith.constant 16 : index
        %get3A_98 = tpu.vector_load %arg10[%get3A_96, %get3A_97] {strides = array<i32>} : memref<80x144xf32, #tpu.memory_space<vmem>>, vector<16xf32>,
        %mul3A_99 = arith.mulf %get3A_98, %gather3A_95 : vector<16xf32>
        %swap3A_100 = arith.index_cast %scan3A_63 : i32 to index
        %swap3A_101 = arith.constant 16 : index
        %swap3A_102 = tpu.vector_load %arg11[%swap3A_100, %swap3A_101] {strides = array<i32>} : memref<80x144xf32, #tpu.memory_space<vmem>>, vector<16xf32>,
        tpu.vector_store %arg11[%swap3A_100, %swap3A_101], %mul3A_99 {strides = array<i32>} : memref<80x144xf32, #tpu.memory_space<vmem>>, vector<16xf32>,
        %broadcast_in_dim3A_103 = arith.constant 130 : i32
        %broadcast_in_dim3A_104 = vector.broadcast %broadcast_in_dim3A_103 : i32 to vector<16xi32>
        %gather3A_105 = tpu.vector_load_idx %arg11[%broadcast_in_dim3A_65, %broadcast_in_dim3A_104] : memref<80x144xf32, #tpu.memory_space<vmem>>[vector<16xi32>, vector<16xi32>], vector<16xf32>,
        %get3A_106 = arith.index_cast %scan3A_63 : i32 to index
        %get3A_107 = arith.constant 32 : index
        %get3A_108 = tpu.vector_load %arg10[%get3A_106, %get3A_107] {strides = array<i32>} : memref<80x144xf32, #tpu.memory_space<vmem>>, vector<16xf32>,
        %mul3A_109 = arith.mulf %get3A_108, %gather3A_105 : vector<16xf32>
        %swap3A_110 = arith.index_cast %scan3A_63 : i32 to index
        %swap3A_111 = arith.constant 32 : index
        %swap3A_112 = tpu.vector_load %arg11[%swap3A_110, %swap3A_111] {strides = array<i32>} : memref<80x144xf32, #tpu.memory_space<vmem>>, vector<16xf32>,
        tpu.vector_store %arg11[%swap3A_110, %swap3A_111], %mul3A_109 {strides = array<i32>} : memref<80x144xf32, #tpu.memory_space<vmem>>, vector<16xf32>,
        %broadcast_in_dim3A_113 = arith.constant 131 : i32
        %broadcast_in_dim3A_114 = vector.broadcast %broadcast_in_dim3A_113 : i32 to vector<16xi32>
        %gather3A_115 = tpu.vector_load_idx %arg11[%broadcast_in_dim3A_65, %broadcast_in_dim3A_114] : memref<80x144xf32, #tpu.memory_space<vmem>>[vector<16xi32>, vector<16xi32>], vector<16xf32>,
        %get3A_116 = arith.index_cast %scan3A_63 : i32 to index
        %get3A_117 = arith.constant 48 : index
        %get3A_118 = tpu.vector_load %arg10[%get3A_116, %get3A_117] {strides = array<i32>} : memref<80x144xf32, #tpu.memory_space<vmem>>, vector<16xf32>,
        %mul3A_119 = arith.mulf %get3A_118, %gather3A_115 : vector<16xf32>
        %swap3A_120 = arith.index_cast %scan3A_63 : i32 to index
        %swap3A_121 = arith.constant 48 : index
        %swap3A_122 = tpu.vector_load %arg11[%swap3A_120, %swap3A_121] {strides = array<i32>} : memref<80x144xf32, #tpu.memory_space<vmem>>, vector<16xf32>,
        tpu.vector_store %arg11[%swap3A_120, %swap3A_121], %mul3A_119 {strides = array<i32>} : memref<80x144xf32, #tpu.memory_space<vmem>>, vector<16xf32>,
        %broadcast_in_dim3A_123 = arith.constant 132 : i32
        %broadcast_in_dim3A_124 = vector.broadcast %broadcast_in_dim3A_123 : i32 to vector<16xi32>
        %gather3A_125 = tpu.vector_load_idx %arg11[%broadcast_in_dim3A_65, %broadcast_in_dim3A_124] : memref<80x144xf32, #tpu.memory_space<vmem>>[vector<16xi32>, vector<16xi32>], vector<16xf32>,
        %get3A_126 = arith.index_cast %scan3A_63 : i32 to index
        %get3A_127 = arith.constant 64 : index
        %get3A_128 = tpu.vector_load %arg10[%get3A_126, %get3A_127] {strides = array<i32>} : memref<80x144xf32, #tpu.memory_space<vmem>>, vector<16xf32>,
        %mul3A_129 = arith.mulf %get3A_128, %gather3A_125 : vector<16xf32>
        %swap3A_130 = arith.index_cast %scan3A_63 : i32 to index
        %swap3A_131 = arith.constant 64 : index
        %swap3A_132 = tpu.vector_load %arg11[%swap3A_130, %swap3A_131] {strides = array<i32>} : memref<80x144xf32, #tpu.memory_space<vmem>>, vector<16xf32>,
        tpu.vector_store %arg11[%swap3A_130, %swap3A_131], %mul3A_129 {strides = array<i32>} : memref<80x144xf32, #tpu.memory_space<vmem>>, vector<16xf32>,
        %broadcast_in_dim3A_133 = arith.constant 133 : i32
        %broadcast_in_dim3A_134 = vector.broadcast %broadcast_in_dim3A_133 : i32 to vector<16xi32>
        %gather3A_135 = tpu.vector_load_idx %arg11[%broadcast_in_dim3A_65, %broadcast_in_dim3A_134] : memref<80x144xf32, #tpu.memory_space<vmem>>[vector<16xi32>, vector<16xi32>], vector<16xf32>,
        %get3A_136 = arith.index_cast %scan3A_63 : i32 to index
        %get3A_137 = arith.constant 80 : index
        %get3A_138 = tpu.vector_load %arg10[%get3A_136, %get3A_137] {strides = array<i32>} : memref<80x144xf32, #tpu.memory_space<vmem>>, vector<16xf32>,
        %mul3A_139 = arith.mulf %get3A_138, %gather3A_135 : vector<16xf32>
        %swap3A_140 = arith.index_cast %scan3A_63 : i32 to index
        %swap3A_141 = arith.constant 80 : index
        %swap3A_142 = tpu.vector_load %arg11[%swap3A_140, %swap3A_141] {strides = array<i32>} : memref<80x144xf32, #tpu.memory_space<vmem>>, vector<16xf32>,
        tpu.vector_store %arg11[%swap3A_140, %swap3A_141], %mul3A_139 {strides = array<i32>} : memref<80x144xf32, #tpu.memory_space<vmem>>, vector<16xf32>,
        %broadcast_in_dim3A_143 = arith.constant 134 : i32
        %broadcast_in_dim3A_144 = vector.broadcast %broadcast_in_dim3A_143 : i32 to vector<16xi32>
        %gather3A_145 = tpu.vector_load_idx %arg11[%broadcast_in_dim3A_65, %broadcast_in_dim3A_144] : memref<80x144xf32, #tpu.memory_space<vmem>>[vector<16xi32>, vector<16xi32>], vector<16xf32>,
        %get3A_146 = arith.index_cast %scan3A_63 : i32 to index
        %get3A_147 = arith.constant 96 : index
        %get3A_148 = tpu.vector_load %arg10[%get3A_146, %get3A_147] {strides = array<i32>} : memref<80x144xf32, #tpu.memory_space<vmem>>, vector<16xf32>,
        %mul3A_149 = arith.mulf %get3A_148, %gather3A_145 : vector<16xf32>
        %swap3A_150 = arith.index_cast %scan3A_63 : i32 to index
        %swap3A_151 = arith.constant 96 : index
        %swap3A_152 = tpu.vector_load %arg11[%swap3A_150, %swap3A_151] {strides = array<i32>} : memref<80x144xf32, #tpu.memory_space<vmem>>, vector<16xf32>,
        tpu.vector_store %arg11[%swap3A_150, %swap3A_151], %mul3A_149 {strides = array<i32>} : memref<80x144xf32, #tpu.memory_space<vmem>>, vector<16xf32>,
        %broadcast_in_dim3A_153 = arith.constant 135 : i32
        %broadcast_in_dim3A_154 = vector.broadcast %broadcast_in_dim3A_153 : i32 to vector<16xi32>
        %gather3A_155 = tpu.vector_load_idx %arg11[%broadcast_in_dim3A_65, %broadcast_in_dim3A_154] : memref<80x144xf32, #tpu.memory_space<vmem>>[vector<16xi32>, vector<16xi32>], vector<16xf32>,
        %get3A_156 = arith.index_cast %scan3A_63 : i32 to index
        %get3A_157 = arith.constant 112 : index
        %get3A_158 = tpu.vector_load %arg10[%get3A_156, %get3A_157] {strides = array<i32>} : memref<80x144xf32, #tpu.memory_space<vmem>>, vector<16xf32>,
        %mul3A_159 = arith.mulf %get3A_158, %gather3A_155 : vector<16xf32>
        %swap3A_160 = arith.index_cast %scan3A_63 : i32 to index
        %swap3A_161 = arith.constant 112 : index
        %swap3A_162 = tpu.vector_load %arg11[%swap3A_160, %swap3A_161] {strides = array<i32>} : memref<80x144xf32, #tpu.memory_space<vmem>>, vector<16xf32>,
        tpu.vector_store %arg11[%swap3A_160, %swap3A_161], %mul3A_159 {strides = array<i32>} : memref<80x144xf32, #tpu.memory_space<vmem>>, vector<16xf32>,
        %scan3A_163 = arith.constant 0 : i32
        scf.yield %scan3A_163 : i32
      }
      %scan3A_61 = arith.constant 80 : i32
      "tpu.region"() ({
        %run_scoped3A = tpu.sem_alloc : memref<!tpu.dma_semaphore, #tpu.memory_space<semaphore_mem>>
        %dma_start3A_63 = arith.constant 0 : i32
        %dma_start3A_64 = arith.constant 0 : i32
        %dma_start3A_65 = tpu.memref_slice %arg18[%dma_start3A_63, %dma_start3A_64] : memref<10240x144xf32, #tpu.memory_space<vmem_shared>> -> memref<10240x144xf32, #tpu.memory_space<vmem_shared>>
        tpu.enqueue_indirect_dma source(%arg11 : memref<80x144xf32, #tpu.memory_space<vmem>>) target(%dma_start3A_65 : memref<10240x144xf32, #tpu.memory_space<vmem_shared>>) offsets(%arg14 : memref<80xi32, #tpu.memory_space<vmem>>) semaphore(%run_scoped3A : memref<!tpu.dma_semaphore, #tpu.memory_space<semaphore_mem>>) {add = true}
        %dma_wait3A_66 = arith.constant 0 : i32
        %dma_wait3A_67 = arith.constant 0 : i32
        %dma_wait3A_68 = tpu.memref_slice %arg18[%dma_wait3A_66, %dma_wait3A_67] : memref<10240x144xf32, #tpu.memory_space<vmem_shared>> -> memref<10240x144xf32, #tpu.memory_space<vmem_shared>>
        tpu.wait_indirect_dma semaphore(%run_scoped3A : memref<!tpu.dma_semaphore, #tpu.memory_space<semaphore_mem>>) src(%arg11 : memref<80x144xf32, #tpu.memory_space<vmem>>) dst(%dma_wait3A_68 : memref<10240x144xf32, #tpu.memory_space<vmem_shared>>)
        tpu.yield
      }) : () -> ()
      %scan3A_62 = arith.constant 0 : i32
      scf.yield %scan3A_62 : i32
    }
    %scan3A_34 = arith.constant 125 : i32
    %barrier3A_35 = arith.constant 0 : index
    tpu.barrier barrier_id(%barrier3A_35)
    %mul3A_36 = arith.constant 640 : i32
    %mul3A_37 = arith.muli %arg1, %mul3A_36 : i32
    %mul3A_38 = arith.constant 640 : i32
    %mul3A_39 = arith.muli %arg1, %mul3A_38 : i32
    "tpu.region"() ({
      %run_scoped3A = tpu.sem_alloc : memref<!tpu.dma_semaphore, #tpu.memory_space<semaphore_mem>>
      %dma_start3A = arith.constant 0 : i32
      %dma_start3A_40 = tpu.memref_slice %arg9[%arg0, %mul3A_39, %dma_start3A] : memref<2x10240x144xf32, #tpu.memory_space<hbm>> -> memref<1x640x144xf32, #tpu.memory_space<hbm>>
      %dma_start3A_41 = tpu.memref_squeeze %dma_start3A_40 : memref<1x640x144xf32, #tpu.memory_space<hbm>> -> memref<640x144xf32, #tpu.memory_space<hbm>>
      %dma_start3A_42 = arith.constant 0 : i32
      %dma_start3A_43 = tpu.memref_slice %arg18[%mul3A_37, %dma_start3A_42] : memref<10240x144xf32, #tpu.memory_space<vmem_shared>> -> memref<640x144xf32, #tpu.memory_space<vmem_shared>>
      tpu.enqueue_dma source(%dma_start3A_43 : memref<640x144xf32, #tpu.memory_space<vmem_shared>>) target(%dma_start3A_41 : memref<640x144xf32, #tpu.memory_space<hbm>>) target_semaphore(%run_scoped3A : memref<!tpu.dma_semaphore, #tpu.memory_space<semaphore_mem>>)
      %dma_wait3A = arith.constant 0 : i32
      %dma_wait3A_44 = tpu.memref_slice %arg9[%arg0, %mul3A_39, %dma_wait3A] : memref<2x10240x144xf32, #tpu.memory_space<hbm>> -> memref<1x640x144xf32, #tpu.memory_space<hbm>>
      %dma_wait3A_45 = tpu.memref_squeeze %dma_wait3A_44 : memref<1x640x144xf32, #tpu.memory_space<hbm>> -> memref<640x144xf32, #tpu.memory_space<hbm>>
      %dma_wait3A_46 = arith.constant 0 : i32
      %dma_wait3A_47 = tpu.memref_slice %arg18[%mul3A_37, %dma_wait3A_46] : memref<10240x144xf32, #tpu.memory_space<vmem_shared>> -> memref<640x144xf32, #tpu.memory_space<vmem_shared>>
      tpu.wait_dma2 semaphore(%run_scoped3A : memref<!tpu.dma_semaphore, #tpu.memory_space<semaphore_mem>>) src(%dma_wait3A_47 : memref<640x144xf32, #tpu.memory_space<vmem_shared>>) dst(%dma_wait3A_45 : memref<640x144xf32, #tpu.memory_space<hbm>>)
      tpu.yield
    }) : () -> ()
    return
  }
}

module attributes {stable_mosaic.version = 14 : i64} {
  func.func @_proj_body(%arg0: memref<10000x128xf32, #tpu.memory_space<vmem>>, %arg1: memref<128x128xf32, #tpu.memory_space<vmem>>, %arg2: memref<128x16xf32, #tpu.memory_space<vmem>>, %arg3: memref<128x16xf32, #tpu.memory_space<vmem>>, %arg4: memref<128x16xf32, #tpu.memory_space<vmem>>, %arg5: memref<16x16xf32, #tpu.memory_space<vmem>>, %arg6: memref<16x128xf32, #tpu.memory_space<vmem>>, %arg7: memref<10000x144xf32, #tpu.memory_space<vmem>>, %arg8: memref<10000x16xf32, #tpu.memory_space<vmem>>, %arg9: memref<1x16xf32, #tpu.memory_space<vmem>>, %arg10: memref<16x16xf32, #tpu.memory_space<vmem>>) attributes {dimension_semantics = [], scalar_prefetch = 0 : i64, scratch_operands = 0 : i64, tpu.core_type = #tpu.core_type<tc>} {
    %get3A = arith.constant 0 : index
    %get3A_0 = arith.constant 0 : index
    %get3A_1 = vector.load %arg0[%get3A, %get3A_0] : memref<10000x128xf32, #tpu.memory_space<vmem>>, vector<10000x128xf32>
    %get3A_2 = arith.constant 0 : index
    %get3A_3 = arith.constant 0 : index
    %get3A_4 = vector.load %arg1[%get3A_2, %get3A_3] : memref<128x128xf32, #tpu.memory_space<vmem>>, vector<128x128xf32>
    %dot_general3A = arith.constant dense<0.000000e+00> : vector<10000x128xf32>
    %dot_general3A_5 = tpu.matmul %get3A_1, %get3A_4, %dot_general3A {dimension_numbers = #tpu.dot_dimension_numbers<[1], [0], [0], [1], [0, 0, 1, 1], [], []>, transpose_lhs_hint = false} : vector<10000x128xf32>, vector<128x128xf32>, vector<10000x128xf32> -> vector<10000x128xf32>
    %get3A_6 = arith.constant 0 : index
    %get3A_7 = arith.constant 0 : index
    %get3A_8 = vector.load %arg2[%get3A_6, %get3A_7] : memref<128x16xf32, #tpu.memory_space<vmem>>, vector<128x16xf32>
    %dot_general3A_9 = arith.constant dense<0.000000e+00> : vector<10000x16xf32>
    %dot_general3A_10 = tpu.matmul %dot_general3A_5, %get3A_8, %dot_general3A_9 {dimension_numbers = #tpu.dot_dimension_numbers<[1], [0], [0], [1], [0, 0, 1, 1], [], []>, transpose_lhs_hint = false} : vector<10000x128xf32>, vector<128x16xf32>, vector<10000x16xf32> -> vector<10000x16xf32>
    %get3A_11 = arith.constant 0 : index
    %get3A_12 = arith.constant 0 : index
    %get3A_13 = vector.load %arg3[%get3A_11, %get3A_12] : memref<128x16xf32, #tpu.memory_space<vmem>>, vector<128x16xf32>
    %dot_general3A_14 = arith.constant dense<0.000000e+00> : vector<10000x16xf32>
    %dot_general3A_15 = tpu.matmul %dot_general3A_5, %get3A_13, %dot_general3A_14 {dimension_numbers = #tpu.dot_dimension_numbers<[1], [0], [0], [1], [0, 0, 1, 1], [], []>, transpose_lhs_hint = false} : vector<10000x128xf32>, vector<128x16xf32>, vector<10000x16xf32> -> vector<10000x16xf32>
    %get3A_16 = arith.constant 0 : index
    %get3A_17 = arith.constant 0 : index
    %get3A_18 = vector.load %arg5[%get3A_16, %get3A_17] : memref<16x16xf32, #tpu.memory_space<vmem>>, vector<16x16xf32>
    %get3A_19 = arith.constant 0 : index
    %get3A_20 = arith.constant 0 : index
    %get3A_21 = vector.load %arg6[%get3A_19, %get3A_20] : memref<16x128xf32, #tpu.memory_space<vmem>>, vector<16x128xf32>
    %dot_general3A_22 = arith.constant dense<0.000000e+00> : vector<16x128xf32>
    %dot_general3A_23 = tpu.matmul %get3A_18, %get3A_21, %dot_general3A_22 {dimension_numbers = #tpu.dot_dimension_numbers<[1], [0], [0], [1], [0, 0, 1, 1], [], []>, transpose_lhs_hint = false} : vector<16x16xf32>, vector<16x128xf32>, vector<16x128xf32> -> vector<16x128xf32>
    %get3A_24 = arith.constant 0 : index
    %get3A_25 = arith.constant 0 : index
    %get3A_26 = vector.load %arg4[%get3A_24, %get3A_25] : memref<128x16xf32, #tpu.memory_space<vmem>>, vector<128x16xf32>
    %dot_general3A_27 = arith.constant dense<0.000000e+00> : vector<16x16xf32>
    %dot_general3A_28 = tpu.matmul %dot_general3A_23, %get3A_26, %dot_general3A_27 {dimension_numbers = #tpu.dot_dimension_numbers<[1], [0], [0], [1], [0, 0, 1, 1], [], []>, transpose_lhs_hint = false} : vector<16x128xf32>, vector<128x16xf32>, vector<16x16xf32> -> vector<16x16xf32>
    %swap3A = arith.constant 0 : index
    %swap3A_29 = arith.constant 0 : index
    %swap3A_30 = vector.load %arg7[%swap3A, %swap3A_29] : memref<10000x144xf32, #tpu.memory_space<vmem>>, vector<10000x128xf32>
    tpu.vector_store %arg7[%swap3A, %swap3A_29], %dot_general3A_5 {strides = array<i32>} : memref<10000x144xf32, #tpu.memory_space<vmem>>, vector<10000x128xf32>,
    %swap3A_31 = arith.constant 0 : index
    %swap3A_32 = arith.constant 128 : index
    %swap3A_33 = vector.load %arg7[%swap3A_31, %swap3A_32] : memref<10000x144xf32, #tpu.memory_space<vmem>>, vector<10000x16xf32>
    tpu.vector_store %arg7[%swap3A_31, %swap3A_32], %dot_general3A_10 {strides = array<i32>} : memref<10000x144xf32, #tpu.memory_space<vmem>>, vector<10000x16xf32>,
    %swap3A_34 = arith.constant 0 : index
    %swap3A_35 = arith.constant 0 : index
    %swap3A_36 = vector.load %arg8[%swap3A_34, %swap3A_35] : memref<10000x16xf32, #tpu.memory_space<vmem>>, vector<10000x16xf32>
    tpu.vector_store %arg8[%swap3A_34, %swap3A_35], %dot_general3A_15 {strides = array<i32>} : memref<10000x16xf32, #tpu.memory_space<vmem>>, vector<10000x16xf32>,
    %reduce_max3A = arith.constant dense<0xFF800000> : vector<16xf32>
    %reduce_max3A_37 = vector.multi_reduction <maximumf>, %dot_general3A_10, %reduce_max3A [0] : vector<10000x16xf32> to vector<16xf32>
    %broadcast_in_dim3A = vector.shape_cast %reduce_max3A_37 : vector<16xf32> to vector<1x16xf32>
    %reduce_max3A_38 = arith.constant dense<0xFF800000> : vector<16xf32>
    %reduce_max3A_39 = vector.multi_reduction <maximumf>, %dot_general3A_15, %reduce_max3A_38 [0] : vector<10000x16xf32> to vector<16xf32>
    %broadcast_in_dim3A_40 = vector.shape_cast %reduce_max3A_39 : vector<16xf32> to vector<1x16xf32>
    %add3A = arith.addf %broadcast_in_dim3A, %broadcast_in_dim3A_40 : vector<1x16xf32>
    %reduce_max3A_41 = arith.constant dense<0xFF800000> : vector<16xf32>
    %reduce_max3A_42 = vector.multi_reduction <maximumf>, %dot_general3A_28, %reduce_max3A_41 [0] : vector<16x16xf32> to vector<16xf32>
    %broadcast_in_dim3A_43 = vector.shape_cast %reduce_max3A_42 : vector<16xf32> to vector<1x16xf32>
    %add3A_44 = arith.addf %add3A, %broadcast_in_dim3A_43 : vector<1x16xf32>
    %gt3A = arith.constant 0.000000e+00 : f32
    %gt3A_45 = vector.broadcast %gt3A : f32 to vector<1x16xf32>
    %gt3A_46 = arith.cmpf ogt, %add3A_44, %gt3A_45 : vector<1x16xf32>
    %mul3A = arith.constant 2.000000e-01 : f32
    %mul3A_47 = vector.broadcast %mul3A : f32 to vector<1x16xf32>
    %mul3A_48 = arith.mulf %mul3A_47, %add3A_44 : vector<1x16xf32>
    %select_n3A = arith.select %gt3A_46, %add3A_44, %mul3A_48 : vector<1x16xi1>, vector<1x16xf32>
    %swap3A_49 = arith.constant 0 : index
    %swap3A_50 = arith.constant 0 : index
    %swap3A_51 = vector.load %arg9[%swap3A_49, %swap3A_50] : memref<1x16xf32, #tpu.memory_space<vmem>>, vector<1x16xf32>
    tpu.vector_store %arg9[%swap3A_49, %swap3A_50], %select_n3A {strides = array<i32>} : memref<1x16xf32, #tpu.memory_space<vmem>>, vector<1x16xf32>,
    %broadcast_in_dim3A_52 = arith.constant 0.000000e+00 : f32
    %broadcast_in_dim3A_53 = vector.broadcast %broadcast_in_dim3A_52 : f32 to vector<1x8xf32>
    %broadcast_in_dim3A_54 = arith.constant -1.000000e+30 : f32
    %broadcast_in_dim3A_55 = vector.broadcast %broadcast_in_dim3A_54 : f32 to vector<1x8xf32>
    %concatenate3A = tpu.concatenate %broadcast_in_dim3A_53, %broadcast_in_dim3A_55 in 1 : vector<1x8xf32>, vector<1x8xf32> -> vector<1x16xf32>
    %add3A_56 = vector.broadcast %concatenate3A : vector<1x16xf32> to vector<16x16xf32>
    %add3A_57 = arith.addf %dot_general3A_28, %add3A_56 : vector<16x16xf32>
    %swap3A_58 = arith.constant 0 : index
    %swap3A_59 = arith.constant 0 : index
    %swap3A_60 = vector.load %arg10[%swap3A_58, %swap3A_59] : memref<16x16xf32, #tpu.memory_space<vmem>>, vector<16x16xf32>
    tpu.vector_store %arg10[%swap3A_58, %swap3A_59], %add3A_57 {strides = array<i32>} : memref<16x16xf32, #tpu.memory_space<vmem>>, vector<16x16xf32>,
    return
  }
}

module attributes {stable_mosaic.version = 14 : i64} {
  func.func @_fin_body(%arg0: memref<2x10240x144xf32, #tpu.memory_space<vmem>>, %arg1: memref<1x128xf32, #tpu.memory_space<vmem>>, %arg2: memref<8x128xf32, #tpu.memory_space<vmem>>, %arg3: memref<10000x128xf32, #tpu.memory_space<vmem>>) attributes {dimension_semantics = [], scalar_prefetch = 0 : i64, scratch_operands = 0 : i64, tpu.core_type = #tpu.core_type<tc>} {
    %get3A = arith.constant 0 : index
    %get3A_0 = arith.constant 0 : index
    %get3A_1 = arith.constant 0 : index
    %get3A_2 = vector.load %arg0[%get3A, %get3A_0, %get3A_1] : memref<2x10240x144xf32, #tpu.memory_space<vmem>>, vector<1x10000x144xf32>
    %get3A_3 = vector.shape_cast %get3A_2 : vector<1x10000x144xf32> to vector<10000x144xf32>
    %get3A_4 = arith.constant 1 : index
    %get3A_5 = arith.constant 0 : index
    %get3A_6 = arith.constant 0 : index
    %get3A_7 = vector.load %arg0[%get3A_4, %get3A_5, %get3A_6] : memref<2x10240x144xf32, #tpu.memory_space<vmem>>, vector<1x10000x144xf32>
    %get3A_8 = vector.shape_cast %get3A_7 : vector<1x10000x144xf32> to vector<10000x144xf32>
    %add3A = arith.addf %get3A_3, %get3A_8 : vector<10000x144xf32>
    %slice3A = vector.extract_strided_slice %add3A {offsets = [0, 0], sizes = [10000, 128], strides = [1, 1]} : vector<10000x144xf32> to vector<10000x128xf32>
    %slice3A_9 = vector.extract_strided_slice %add3A {offsets = [0, 128], sizes = [10000, 8], strides = [1, 1]} : vector<10000x144xf32> to vector<10000x8xf32>
    %gt3A = arith.constant 0.000000e+00 : f32
    %gt3A_10 = vector.broadcast %gt3A : f32 to vector<10000x8xf32>
    %gt3A_11 = arith.cmpf ogt, %slice3A_9, %gt3A_10 : vector<10000x8xf32>
    %div3A = arith.constant 1.000000e+00 : f32
    %div3A_12 = vector.broadcast %div3A : f32 to vector<10000x8xf32>
    %div3A_13 = arith.divf %div3A_12, %slice3A_9 : vector<10000x8xf32>
    %jit3A = arith.constant 0.000000e+00 : f32
    %broadcast_in_dim3A = vector.broadcast %jit3A : f32 to vector<10000x8xf32>
    %select_n3A = arith.select %gt3A_11, %div3A_13, %broadcast_in_dim3A : vector<10000x8xi1>, vector<10000x8xf32>
    %get3A_14 = arith.constant 0 : index
    %get3A_15 = arith.constant 0 : index
    %get3A_16 = vector.load %arg2[%get3A_14, %get3A_15] : memref<8x128xf32, #tpu.memory_space<vmem>>, vector<8x128xf32>
    %dot_general3A = arith.constant dense<0.000000e+00> : vector<10000x128xf32>
    %dot_general3A_17 = tpu.matmul %select_n3A, %get3A_16, %dot_general3A {dimension_numbers = #tpu.dot_dimension_numbers<[1], [0], [0], [1], [0, 0, 1, 1], [], []>, transpose_lhs_hint = false} : vector<10000x8xf32>, vector<8x128xf32>, vector<10000x128xf32> -> vector<10000x128xf32>
    %mul3A = arith.mulf %slice3A, %dot_general3A_17 : vector<10000x128xf32>
    %get3A_18 = arith.constant 0 : index
    %get3A_19 = arith.constant 0 : index
    %get3A_20 = vector.load %arg1[%get3A_18, %get3A_19] : memref<1x128xf32, #tpu.memory_space<vmem>>, vector<1x128xf32>
    %add3A_21 = vector.broadcast %get3A_20 : vector<1x128xf32> to vector<10000x128xf32>
    %add3A_22 = arith.addf %mul3A, %add3A_21 : vector<10000x128xf32>
    %max3A = arith.constant 0.000000e+00 : f32
    %max3A_23 = vector.broadcast %max3A : f32 to vector<10000x128xf32>
    %max3A_24 = arith.maximumf %add3A_22, %max3A_23 : vector<10000x128xf32>
    %swap3A = arith.constant 0 : index
    %swap3A_25 = arith.constant 0 : index
    %swap3A_26 = vector.load %arg3[%swap3A, %swap3A_25] : memref<10000x128xf32, #tpu.memory_space<vmem>>, vector<10000x128xf32>
    tpu.vector_store %arg3[%swap3A, %swap3A_25], %max3A_24 {strides = array<i32>} : memref<10000x128xf32, #tpu.memory_space<vmem>>, vector<10000x128xf32>,
    return
  }
}

module attributes {stable_mosaic.version = 14 : i64} {
  func.func @_fin_body(%arg0: memref<2x10240x144xf32, #tpu.memory_space<vmem>>, %arg1: memref<1x128xf32, #tpu.memory_space<vmem>>, %arg2: memref<8x128xf32, #tpu.memory_space<vmem>>, %arg3: memref<10000x128xf32, #tpu.memory_space<vmem>>) attributes {dimension_semantics = [], scalar_prefetch = 0 : i64, scratch_operands = 0 : i64, tpu.core_type = #tpu.core_type<tc>} {
    %get3A = arith.constant 0 : index
    %get3A_0 = arith.constant 0 : index
    %get3A_1 = arith.constant 0 : index
    %get3A_2 = vector.load %arg0[%get3A, %get3A_0, %get3A_1] : memref<2x10240x144xf32, #tpu.memory_space<vmem>>, vector<1x10000x144xf32>
    %get3A_3 = vector.shape_cast %get3A_2 : vector<1x10000x144xf32> to vector<10000x144xf32>
    %get3A_4 = arith.constant 1 : index
    %get3A_5 = arith.constant 0 : index
    %get3A_6 = arith.constant 0 : index
    %get3A_7 = vector.load %arg0[%get3A_4, %get3A_5, %get3A_6] : memref<2x10240x144xf32, #tpu.memory_space<vmem>>, vector<1x10000x144xf32>
    %get3A_8 = vector.shape_cast %get3A_7 : vector<1x10000x144xf32> to vector<10000x144xf32>
    %add3A = arith.addf %get3A_3, %get3A_8 : vector<10000x144xf32>
    %slice3A = vector.extract_strided_slice %add3A {offsets = [0, 0], sizes = [10000, 128], strides = [1, 1]} : vector<10000x144xf32> to vector<10000x128xf32>
    %slice3A_9 = vector.extract_strided_slice %add3A {offsets = [0, 128], sizes = [10000, 8], strides = [1, 1]} : vector<10000x144xf32> to vector<10000x8xf32>
    %gt3A = arith.constant 0.000000e+00 : f32
    %gt3A_10 = vector.broadcast %gt3A : f32 to vector<10000x8xf32>
    %gt3A_11 = arith.cmpf ogt, %slice3A_9, %gt3A_10 : vector<10000x8xf32>
    %div3A = arith.constant 1.000000e+00 : f32
    %div3A_12 = vector.broadcast %div3A : f32 to vector<10000x8xf32>
    %div3A_13 = arith.divf %div3A_12, %slice3A_9 : vector<10000x8xf32>
    %jit3A = arith.constant 0.000000e+00 : f32
    %broadcast_in_dim3A = vector.broadcast %jit3A : f32 to vector<10000x8xf32>
    %select_n3A = arith.select %gt3A_11, %div3A_13, %broadcast_in_dim3A : vector<10000x8xi1>, vector<10000x8xf32>
    %get3A_14 = arith.constant 0 : index
    %get3A_15 = arith.constant 0 : index
    %get3A_16 = vector.load %arg2[%get3A_14, %get3A_15] : memref<8x128xf32, #tpu.memory_space<vmem>>, vector<8x128xf32>
    %dot_general3A = arith.constant dense<0.000000e+00> : vector<10000x128xf32>
    %dot_general3A_17 = tpu.matmul %select_n3A, %get3A_16, %dot_general3A {dimension_numbers = #tpu.dot_dimension_numbers<[1], [0], [0], [1], [0, 0, 1, 1], [], []>, transpose_lhs_hint = false} : vector<10000x8xf32>, vector<8x128xf32>, vector<10000x128xf32> -> vector<10000x128xf32>
    %mul3A = arith.mulf %slice3A, %dot_general3A_17 : vector<10000x128xf32>
    %get3A_18 = arith.constant 0 : index
    %get3A_19 = arith.constant 0 : index
    %get3A_20 = vector.load %arg1[%get3A_18, %get3A_19] : memref<1x128xf32, #tpu.memory_space<vmem>>, vector<1x128xf32>
    %add3A_21 = vector.broadcast %get3A_20 : vector<1x128xf32> to vector<10000x128xf32>
    %add3A_22 = arith.addf %mul3A, %add3A_21 : vector<10000x128xf32>
    %swap3A = arith.constant 0 : index
    %swap3A_23 = arith.constant 0 : index
    %swap3A_24 = vector.load %arg3[%swap3A, %swap3A_23] : memref<10000x128xf32, #tpu.memory_space<vmem>>, vector<10000x128xf32>
    tpu.vector_store %arg3[%swap3A, %swap3A_23], %add3A_22 {strides = array<i32>} : memref<10000x128xf32, #tpu.memory_space<vmem>>, vector<10000x128xf32>,
    return
  }
}

</mosaic_0001>

<sc_bundles>
// kernel: kernel.11.cloned.1.call-start
scs
__scs_entry_jumppad:
0x0: {  	(pc) =	sbr.rel $0x88, $3  }
0x1: {  	(tag) =	ssettag $0x0;
	lr =	simm.s32 $0x1  }
0x2: {  	[smem:$0x3F91] =	sst lr;
	_ =	strace $0xD0000000  }
0x3: {  	_ = 	snop  }
0x4: {  	_ = 	snop  }
0x5: {  	_ = 	snop  }
0x6: {  	_ = 	snop  }
0x7: {  	_ = 	snop  }
__scs_overlays_trampoline_lowered:
0x8: {  	[smem:$0x3FA0] =	sst s0  }
0x9: {  	[smem:$0x3FA1] =	sst s1  }
0xa: {  	[smem:$0x3FA2] =	sst s2  }
0xb: {  	[smem:$0x3FA3] =	sst s3  }
0xc: {  	[smem:$0x3FA4] =	sst s4  }
0xd: {  	[smem:$0x3FA5] =	sst s5  }
0xe: {  	[smem:$0x3FA6] =	sst s6  }
0xf: {  	[smem:$0x3FA7] =	sst s7  }
0x10: {  	[smem:$0x3FA8] =	sst s8  }
0x11: {  	[smem:$0x3FA9] =	sst s9;
	s0 =	simm.s32 @!p0 $0x0  }
0x12: {  	s1 =	sld [smem:$0x3F8F];
	s0 =	simm.s32 @p0 $0x1  }
0x13: {  	[smem:$0x3FAA] =	sst s0;
	s0 =	simm.s32 @!p1 $0x0  }
0x14: {  	s2 =	sld [smem:$0x3F8E];
	s0 =	simm.s32 @p1 $0x1  }
0x15: {  	[smem:$0x3FAB] =	sst s0;
	s0 =	simm.s32 @!p2 $0x0  }
0x16: {  	s3 =	sld [smem:$0x3FDB];
	s0 =	simm.s32 @p2 $0x1  }
0x17: {  	s4 =	simm.s32 $0x1BF5;
	[smem:$0x3FAD] =	sst s0  }
0x18: {  	s0 =	sld [smem:$0x3F90];
	_ =	swait.ge [sflag:s4], $0x0  }
0x19: {  	s7 =	sld [smem:$0x3F91]  }
0x1a: {  	s8 =	sadd.s32 $0xFFFFE003, lr  }
0x1b: {  	s9 =	sadd.s32 $0xFFFFFEF7, lr;
	s5 =	simm.s32 $0xFFFFFFFF;
	p2 =	slt.u32 s8, $0xFFFFF086  }
0x1c: {  	p1 =	slt.u32 s9, $0xF7A;
	s5 =	simm.s32 @!p2 $0x0  }
0x1d: {  	s5 =	simm.s32 @p1 $0x1;
	p0 =	seq.s32 s7, s2  }
0x1e: {  	s7 =	smul.u32 @!p0 $0xF7A, s2;
	p2 =	seq.s32 @!p0 s5, $0x0  }
0x1f: {  	s9 =	smul.u32 $0xF7A, s1;
	s8 =	simm.s32 @!p0 $0x1BF5;
	p2 =	por !p2, p0  }
0x20: {  	[sflag:s8] =	ssyncset.s32 @!p0 $0xFFFFF086;
	s6 =	sadd.s32 @!p0 s3, s7;
	s7 =	simm.s32 @!p0 $0x108  }
0x21: {  	s3 =	sadd.s32 s3, s9;
	s6 =	sadd.s32 @!p0 $0x88, s6;
	s7 =	simm.s32 @p2 $0x1082  }
0x22: {  	[simem:s7], [sflag:s8] =	dma.local @!p0 [hbm:s6], $0xF7A  }
0x23: {  	s9 =	sor.u32 $0xD0000000, s2;
	s6 =	simm.s32 $0x108;
	_ =	swait.ge @!p0 [sflag:s8], $0x0  }
0x24: {  	s3 =	sadd.s32 $0x88, s3;
	s6 =	simm.s32 @!p1 $0x1082;
	[sflag:s4] =	ssyncset.s32 $0xFFFFF086  }
0x25: {  	[simem:s6], [sflag:s4] =	dma.local [hbm:s3], $0xF7A  }
0x26: {  	[smem:$0x3F91] =	sst s1;
	(tag) =	ssettag s2;
	_ =	strace s9  }
0x27: {  	s1 =	sld [smem:$0x3FA1]  }
0x28: {  	s2 =	sld [smem:$0x3FA2]  }
0x29: {  	s4 =	sld [smem:$0x3FA4]  }
0x2a: {  	p0 =	seq.s32 s5, $0x0;
	s5 =	sld [smem:$0x3FA5]  }
0x2b: {  	s6 =	sld [smem:$0x3FA6]  }
0x2c: {  	s7 =	sld [smem:$0x3FA7]  }
0x2d: {  	s3 =	simm.s32 $0x108;
	s8 =	sld [smem:$0x3FA8]  }
0x2e: {  	s3 =	simm.s32 @!p0 $0x1082;
	s9 =	sld [smem:$0x3FA9]  }
0x2f: {  	lr =	sadd.s32 s0, s3;
	s0 =	sld [smem:$0x3FA0]  }
0x30: {  	s3 =	sld [smem:$0x3FA3]  }
0x31: {  	[smem:$0x3FAC] =	sst s10  }
0x32: {  	s10 =	sld [smem:$0x3FAA];
	_ =	sdelay $0x3  }
0x33: {  	p0 =	seq.s32 s10, $0x1;
	s10 =	sld [smem:$0x3FAC];
	_ =	sdelay $0x3  }
0x34: {  	[smem:$0x3FAC] =	sst s10  }
0x35: {  	s10 =	sld [smem:$0x3FAB];
	_ =	sdelay $0x3  }
0x36: {  	p1 =	seq.s32 s10, $0x1;
	s10 =	sld [smem:$0x3FAC];
	_ =	sdelay $0x3  }
0x37: {  	[smem:$0x3FAC] =	sst s10  }
0x38: {  	s10 =	sld [smem:$0x3FAD]  }
0x39: {  	_ = 	snop;
	(pc) =	sbr.ind lr, $3  }
0x3a: {  	_ = 	snop  }
0x3b: {  	_ = 	snop  }
0x3c: {  	p2 =	seq.s32 s10, $0x1;
	s10 =	sld [smem:$0x3FAC]  }
0x3d: {  	_ =	shalt  }
0x3e: {  	_ =	shalt  }
0x3f: {  	_ =	shalt  }
0x40: {  	_ =	shalt  }
0x41: {  	_ =	shalt  }
0x42: {  	_ =	shalt  }
0x43: {  	_ =	shalt  }
0x44: {  	_ =	shalt  }
0x45: {  	_ =	shalt  }
0x46: {  	_ =	shalt  }
0x47: {  	_ =	shalt  }
0x48: {  	_ =	shalt  }
0x49: {  	_ =	shalt  }
0x4a: {  	_ =	shalt  }
0x4b: {  	_ =	shalt  }
0x4c: {  	_ =	shalt  }
0x4d: {  	_ =	shalt  }
0x4e: {  	_ =	shalt  }
0x4f: {  	_ =	shalt  }
0x50: {  	_ =	shalt  }
0x51: {  	_ =	shalt  }
0x52: {  	_ =	shalt  }
0x53: {  	_ =	shalt  }
0x54: {  	_ =	shalt  }
0x55: {  	_ =	shalt  }
0x56: {  	_ =	shalt  }
0x57: {  	_ =	shalt  }
0x58: {  	_ =	shalt  }
0x59: {  	_ =	shalt  }
0x5a: {  	_ =	shalt  }
0x5b: {  	_ =	shalt  }
0x5c: {  	_ =	shalt  }
0x5d: {  	_ =	shalt  }
0x5e: {  	_ =	shalt  }
0x5f: {  	_ =	shalt  }
0x60: {  	_ =	shalt  }
0x61: {  	_ =	shalt  }
0x62: {  	_ =	shalt  }
0x63: {  	_ =	shalt  }
0x64: {  	_ =	shalt  }
0x65: {  	_ =	shalt  }
0x66: {  	_ =	shalt  }
0x67: {  	_ =	shalt  }
0x68: {  	_ =	shalt  }
0x69: {  	_ =	shalt  }
0x6a: {  	_ =	shalt  }
0x6b: {  	_ =	shalt  }
0x6c: {  	_ =	shalt  }
0x6d: {  	_ =	shalt  }
0x6e: {  	_ =	shalt  }
0x6f: {  	_ =	shalt  }
0x70: {  	_ =	shalt  }
0x71: {  	_ =	shalt  }
0x72: {  	_ =	shalt  }
0x73: {  	_ =	shalt  }
0x74: {  	_ =	shalt  }
0x75: {  	_ =	shalt  }
0x76: {  	_ =	shalt  }
0x77: {  	_ =	shalt  }
0x78: {  	_ =	shalt  }
0x79: {  	_ =	shalt  }
0x7a: {  	_ =	shalt  }
0x7b: {  	_ =	shalt  }
0x7c: {  	_ =	shalt  }
0x7d: {  	_ =	shalt  }
0x7e: {  	_ =	shalt  }
0x7f: {  	_ =	shalt  }
0x80: {  	_ =	shalt  }
0x81: {  	_ =	shalt  }
0x82: {  	_ =	shalt  }
0x83: {  	_ =	shalt  }
0x84: {  	_ =	shalt  }
0x85: {  	_ =	shalt  }
0x86: {  	_ =	shalt  }
0x87: {  	_ =	shalt  }
.Lfunc_end0:
.L_simem_size_0:
called_computation.1_lowered:
.L_overlay_start_0:
0x88: {  	s2 =	sld [smem:$0x3FD9]  }
0x89: {  	s3 =	sld [smem:$0x3FFE];
	_ =	sdelay $0x1  }
0x8a: {  	s1 =	srdreg.scid  }
0x8b: {  	s0 =	sand.u32 $0x1, s1  }
0x8c: {  	s17 =	sshll.u32 s0, $0xA;
	s2 =	sadd.s32 s3, s2  }
0x8d: {  	s2 =	sadd.s32 s2, s17  }
0x8e: {  	[smem:$0x3FB8] =	sst s2  }
0x8f: {  	_ = 	snop  }
0x90: {  	s2 =	sld [smem:$0x3FC7]  }
0x91: {  	s18 =	sld [smem:$0x3FD0];
	(tm) =	ssettm $0x1  }
0x92: {  	s4 =	sld [smem:$0x3FFB];
	_ =	sdelay $0x3  }
0x93: {  	_ =	strace s4  }
0x94: {  	s4 =	sld [smem:$0x3FFC];
	_ =	sdelay $0x3  }
0x95: {  	_ =	strace s4  }
0x96: {  	s4 =	sld [smem:$0x3FFD];
	_ =	sdelay $0x3  }
0x97: {  	_ =	strace s4  }
0x98: {  	_ =	strace $0x8FFFFFFF  }
0x99: {  	s19 =	sld [smem:$0x3FDB];
	_ =	sdelay $0x1  }
0x9a: {  	s5 =	simm.s32 $_scs_section_size  }
0x9b: {  	s6 =	simm.s32 $_size__tile_overlayer_lowered;
	s7 =	simm.s32 $_tile_overlayer_lowered  }
0x9c: {  	s22 =	simm.s32 $0x1BFF;
	s21 =	sshll.u32 s7, $0x1;
	s4 =	sadd.s32 s5, s19  }
0x9d: {  	s8 =	simm.s32 $0x0;
	s20 =	sshll.u32 s6, $0x1;
	s6 =	sadd.s32 s21, s4  }
0x9e: {  	[timem:s8], [sflag:s22] =	dma.local [hbm:s6], s20  }
0x9f: {  	_ =	swait.ge [sflag:s22], s20  }
0xa0: {  	s5 =	ssub.s32 $0x0, s20;
	[sflag:s22] =	ssyncset.done $0x0  }
0xa1: {  	[sflag:s22] =	ssyncadd.s32 s5;
	_ =	sdelay $0x1  }
0xa2: {  	s23 =	simm.s32 $0x1B8B  }
0xa3: {  	_ =	swait.ge [sflag:s23], $0x1  }
0xa4: {  	[sflag:s23] =	ssyncset.done $0x0  }
0xa5: {  	s25 =	simm.s32 $0x1B8E;
	s24 =	sld [smem:$0x3FFE];
	[sflag:s23] =	ssyncadd.s32 $0xFFFFFFFF  }
0xa6: {  	s26 =	simm.s32 $execute0_lowered;
	[smem:$0x3FD2] =	sst s25  }
0xa7: {  	s6 =	sshll.u32 s26, $0x1;
	_ =	strace $0x80000049;
	[dreg:$0x1] =	wrdreg $0xFFFFFFFF  }
0xa8: {  	s28 =	simm.s32 $_size_execute0_lowered;
	s4 =	sadd.s32 s4, s6;
	[dreg:$0x0] =	wrdreg $0x0  }
0xa9: {  	s6 =	sshll.u32 s28, $0x1;
	[dreg:$0x2] =	wrdreg s4  }
0xaa: {  	[dreg:$0x3] =	wrdreg s6  }
0xab: {  	[dreg:$0x4] =	wrdreg $0xC0  }
0xac: {  	_ =	task [dreg:s8], $0x5FFFF  }
0xad: {  	[dreg:$0x1] =	wrdreg $0xFFFFFFFF  }
0xae: {  	[dreg:$0x0] =	wrdreg $0x60  }
0xaf: {  	[dreg:$0x2] =	wrdreg s24  }
0xb0: {  	[dreg:$0x3] =	wrdreg s18  }
0xb1: {  	[dreg:$0x4] =	wrdreg s2  }
0xb2: {  	[dreg:$0x5] =	wrdreg $0x61000  }
0xb3: {  	[dreg:$0x6] =	wrdreg $0x9  }
0xb4: {  	_ =	task.clear_ibuf [dreg:s8], $0x7FFFF;
	_ =	strace $0x90000049  }
0xb5: {  	s29 =	simm.s32 $0x9;
	_ =	strace $0x8000004B  }
0xb6: {  	_ =	swait.ge [sflag:s29], $0x1  }
0xb7: {  	[sflag:s29] =	ssyncadd.s32 $0xFFFFFFFF  }
0xb8: {  	_ =	strace $0x9000004B  }
0xb9: {  	_ =	sfence  }
0xba: {  	s30 =	sld [smem:$0x0];
	_ =	sdelay $0x2  }
0xbb: {  	s31 =	sshll.u32 s1, $0xD;
	s1 =	sshrl.u32 s1, $0x2  }
0xbc: {  	s3 =	sand.u32 $0x4000, s31;
	s1 =	sadd.s32 s1, s30  }
0xbd: {  	s0 =	sor.u32 s3, s0;
	s1 =	sshll.u32 s1, $0x11  }
0xbe: {  	s0 =	sor.u32 s1, s0  }
0xbf: {  	s0 =	sadd.s32 $0x8F2B, s0  }
0xc0: {  	[sflag:s0] =	ssyncadd.remote.s32 $0x1  }
0xc1: {  	_ =	sfence.sel $0xFFFF  }
0xc2: {  	[dreg:$0x0] =	wrdreg $0xFFFFFFFF;
	(pc) =	sbr.abs _section_cstart, $3  }
0xc3: {  	[dreg:$0x1] =	wrdreg $0xFFFFFFFF  }
0xc4: {  	_ =	task.clear_ibuf [dreg:s8], $0x2FFFF;
	_ =	strace $0x9FFFFFFF  }
0xc5: {  	(tm) =	ssettm $0x7FFFFFFF  }
tec
execute0_lowered:
.L_overlay_start_1:
0x0: {  	(tag) =	ssettag $0x1  }
0x1: {  	s0 =	rddreg [dreg:$0x0]  }
0x2: {  	s1 =	rddreg [dreg:$0x1]  }
0x3: {  	s3 =	rddreg [dreg:$0x2]  }
0x4: {  	s4 =	rddreg [dreg:$0x3];
	s2 =	srdreg.scid  }
0x5: {  	s12 =	stileid.u32;
	s6 =	simm.s32 $0x0;
	s28 =	simm.s32 $0x5F50  }
0x6: {  	s29 =	simm.s32 $0x5FA0;
	s30 =	simm.s32 $0x50;
	s31 =	simm.s32 $0x1  }
0x7: {  	s2 =	sand.u32 $0x1, s2;
	s5 =	smul.u32 $0x16800, s12;
	[smem:$0x7FF] =	sst s6  }
0x8: {  	s6 =	sadd.s32 $0x1A00, s0;
	s7 =	sadd.s32 $0x2DA00, s0;
	s9 =	sadd.s32 $0x32A00, s0  }
0x9: {  	s18 =	sadd.s32 $0x1800, s0;
	s11 =	smul.u32 $0x5A000, s12;
	s10 =	sadd.s32 $0x32C00, s0  }
0xa: {  	s8 =	smul.u32 $0x168000, s2;
	_ =	strace $0x8000004A;
	[dreg:$0x5] =	wrdreg s9  }
0xb: {  	[dreg:$0x6] =	wrdreg s18;
	s19 =	ssub.s32 $0x2, s2;
	s2 =	sshll.u32 s2, $0x4  }
0xc: {  	s20 =	sshrl.u32 s19, $0x1;
	s21 =	sshrl.u32 s11, $0x2;
	s2 =	sor.u32 s12, s2  }
0xd: {  	s11 =	sadd.s32 s5, s4;
	s8 =	sadd.s32 s5, s8;
	s22 =	sadd.s32 s21, s4  }
0xe: {  	s8 =	sshrl.u32 s8, $0x3;
	s9 =	sadd.s32 $0x2D00, s22;
	s23 =	sadd.s32 $0x5A00, s22  }
0xf: {  	s24 =	sadd.s32 $0x8700, s22;
	s25 =	sadd.s32 $0xB400, s22;
	[dreg:$0x7] =	wrdreg s9  }
0x10: {  	s26 =	sadd.s32 $0xE100, s22;
	s17 =	sadd.s32 $0x10E00, s22;
	[dreg:$0x8] =	wrdreg s23  }
0x11: {  	s18 =	sadd.s32 $0x13B00, s22;
	s22 =	simm.s32 $0x5FF0;
	[dreg:$0x9] =	wrdreg s24  }
0x12: {  	s0 =	sadd.s32 s8, s0;
	s8 =	ssub.s32 s19, s20;
	[dreg:$0xa] =	wrdreg s25  }
0x13: {  	[dreg:$0xb] =	wrdreg s26;
	s19 =	smul.u32 $0x2710, s2;
	s23 =	simm.s32 $0x3  }
0x14: {  	s25 =	simm.s32 $0x2D00;
	s26 =	simm.s32 $0x5F00;
	s24 =	simm.s32 $0x0  }
0x15: {  	v0 =	vimm.f32 $0.0e+00;
	v1 =	vlaneseq.u32;
	s20 =	sadd.s32 $0x3CA00, s0;
	s21 =	smax.u32 s8, $0x1;
	s0 =	simm.s32 $0x2  }
.LBB2_1:
0x16: {  	s2 =	simm.s32 $0x0;
	s5 =	rddreg [dreg:$0x5]  }
0x17: {  	[tilespmem:s22], [sflag:$0x3] =	stream.linear.gather [hbm4b:s5+s2], $0x100, $0x38;
	[tilespmem:$0x1C900] =	vst v63  }
0x18: {  	_ =	swait.ge [sflag:s23], $0x100  }
0x19: {  	[sflag:s23] =	ssyncset.done $0x0  }
0x1a: {  	s8 =	simm.s32 $0x60F0;
	s16 =	rddreg [dreg:$0x6];
	[sflag:s23] =	ssyncadd.s32 $0xFFFFFF00  }
0x1b: {  	[tilespmem:s8], [sflag:$0x3] =	stream.linear.gather [hbm4b:s16+s2], $0x10, $0x38;
	[tilespmem:$0x1C900] =	vst v63  }
0x1c: {  	_ =	swait.ge [sflag:s23], $0x10  }
0x1d: {  	[sflag:s23] =	ssyncset.done $0x0  }
0x1e: {  	s5 =	simm.s32 $0x240;
	s2 =	simm.s32 $0x0;
	[sflag:s23] =	ssyncadd.s32 $0xFFFFFFF0  }
.LBB2_2:
0x1f: {  	p0 =	sne.s32 s5, $0xB1C0;
	[tilespmem:s2+$0x2D80] =	vst v0  }
0x20: {  	[tilespmem:s2+$0x2D00] =	vst v0  }
0x21: {  	[tilespmem:s2+$0x2D10] =	vst v0  }
0x22: {  	[tilespmem:s2+$0x2D20] =	vst v0  }
.Ltmp0:
0x23: {  	[tilespmem:s2+$0x2D30] =	vst v0;
	(pc) =	sbr.rel @p0 .LBB2_2-.Ltmp0, $4  }
0x24: {  	[tilespmem:s2+$0x2D40] =	vst v0  }
0x25: {  	[tilespmem:s2+$0x2D50] =	vst v0  }
0x26: {  	[tilespmem:s2+$0x2D60] =	vst v0  }
0x27: {  	[tilespmem:s2+$0x2D70] =	vst v0;
	s2 =	sshra.s32 s5, $0x2;
	s5 =	sadd.s32 $0x240, s5  }
0x28: {  	[tilespmem:s2+$0x2D80] =	vst v0  }
0x29: {  	[tilespmem:s2+$0x2D00] =	vst v0  }
0x2a: {  	[tilespmem:s2+$0x2D10] =	vst v0  }
0x2b: {  	[tilespmem:s2+$0x2D20] =	vst v0  }
0x2c: {  	[tilespmem:s2+$0x2D30] =	vst v0  }
0x2d: {  	[tilespmem:s2+$0x2D40] =	vst v0  }
0x2e: {  	[tilespmem:s2+$0x2D50] =	vst v0  }
0x2f: {  	[tilespmem:s2+$0x2D60] =	vst v0  }
0x30: {  	[tilespmem:s2+$0x2D70] =	vst v0  }
0x31: {  	[spmem:s11] =	stream.linear.scatter [tilespmem:s25], [sflag:$0x3], $0x2D00, $0x38;
	[tilespmem:$0x1C900] =	vst v63  }
0x32: {  	_ =	swait.ge [sflag:s23], $0x2D00  }
0x33: {  	[sflag:s23] =	ssyncset.done $0x0  }
0x34: {  	s12 =	rddreg [dreg:$0x7];
	[sflag:s23] =	ssyncadd.s32 $0xFFFFD300  }
0x35: {  	[spmem:s12] =	stream.linear.scatter [tilespmem:s25], [sflag:$0x3], $0x2D00, $0x38;
	[tilespmem:$0x1C900] =	vst v63  }
0x36: {  	_ =	swait.ge [sflag:s23], $0x2D00  }
0x37: {  	[sflag:s23] =	ssyncset.done $0x0  }
0x38: {  	s13 =	rddreg [dreg:$0x8];
	[sflag:s23] =	ssyncadd.s32 $0xFFFFD300  }
0x39: {  	[spmem:s13] =	stream.linear.scatter [tilespmem:s25], [sflag:$0x3], $0x2D00, $0x38;
	[tilespmem:$0x1C900] =	vst v63  }
0x3a: {  	_ =	swait.ge [sflag:s23], $0x2D00  }
0x3b: {  	[sflag:s23] =	ssyncset.done $0x0  }
0x3c: {  	s14 =	rddreg [dreg:$0x9];
	[sflag:s23] =	ssyncadd.s32 $0xFFFFD300  }
0x3d: {  	[spmem:s14] =	stream.linear.scatter [tilespmem:s25], [sflag:$0x3], $0x2D00, $0x38;
	[tilespmem:$0x1C900] =	vst v63  }
0x3e: {  	_ =	swait.ge [sflag:s23], $0x2D00  }
0x3f: {  	[sflag:s23] =	ssyncset.done $0x0  }
0x40: {  	s15 =	rddreg [dreg:$0xa];
	[sflag:s23] =	ssyncadd.s32 $0xFFFFD300  }
0x41: {  	[spmem:s15] =	stream.linear.scatter [tilespmem:s25], [sflag:$0x3], $0x2D00, $0x38;
	[tilespmem:$0x1C900] =	vst v63  }
0x42: {  	_ =	swait.ge [sflag:s23], $0x2D00  }
0x43: {  	[sflag:s23] =	ssyncset.done $0x0  }
0x44: {  	s16 =	rddreg [dreg:$0xb];
	[sflag:s23] =	ssyncadd.s32 $0xFFFFD300  }
0x45: {  	[spmem:s16] =	stream.linear.scatter [tilespmem:s25], [sflag:$0x3], $0x2D00, $0x38;
	[tilespmem:$0x1C900] =	vst v63  }
0x46: {  	_ =	swait.ge [sflag:s23], $0x2D00  }
0x47: {  	[sflag:s23] =	ssyncset.done $0x0  }
0x48: {  	[sflag:s23] =	ssyncadd.s32 $0xFFFFD300  }
0x49: {  	[spmem:s17] =	stream.linear.scatter [tilespmem:s25], [sflag:$0x3], $0x2D00, $0x38;
	[tilespmem:$0x1C900] =	vst v63  }
0x4a: {  	_ =	swait.ge [sflag:s23], $0x2D00  }
0x4b: {  	[sflag:s23] =	ssyncset.done $0x0  }
0x4c: {  	[sflag:s23] =	ssyncadd.s32 $0xFFFFD300  }
0x4d: {  	[spmem:s18] =	stream.linear.scatter [tilespmem:s25], [sflag:$0x3], $0x2D00, $0x38;
	[tilespmem:$0x1C900] =	vst v63  }
0x4e: {  	_ =	swait.ge [sflag:s23], $0x2D00  }
0x4f: {  	[sflag:s23] =	ssyncset.done $0x0  }
0x50: {  	[sflag:s23] =	ssyncadd.s32 $0xFFFFD300  }
0x51: {  	s2 =	simm.s32 $0x0;
	s5 =	simm.s32 $0x0;
	[bflag:$0x0] =	sbarrier.arrive $0xFFFF  }
.LBB2_4:
0x52: {  	s8 =	smul.u32 $0x50, s5;
	_ =	sdelay $0x1  }
0x53: {  	s8 =	sadd.s32 s19, s8  }
0x54: {  	s8 =	sshrl.u32 s8, $0x3  }
0x55: {  	s9 =	sadd.s32 s10, s8  }
0x56: {  	[tilespmem:s26], [sflag:$0x3] =	stream.linear.gather [hbm4b:s9+s2], $0x50, $0x38;
	[tilespmem:$0x1C900] =	vst v63  }
0x57: {  	_ =	swait.ge [sflag:s23], $0x50  }
0x58: {  	[sflag:s23] =	ssyncset.done $0x0  }
0x59: {  	s16 =	sadd.s32 s1, s8;
	[sflag:s23] =	ssyncadd.s32 $0xFFFFFFB0  }
0x5a: {  	[tilespmem:s28], [sflag:$0x3] =	stream.linear.gather [hbm4b:s16+s2], $0x50, $0x38;
	[tilespmem:$0x1C900] =	vst v63  }
0x5b: {  	_ =	swait.ge [sflag:s23], $0x50  }
0x5c: {  	[sflag:s23] =	ssyncset.done $0x0  }
0x5d: {  	s8 =	sadd.s32 s3, s8;
	[sflag:s23] =	ssyncadd.s32 $0xFFFFFFB0  }
0x5e: {  	[tilespmem:s29], [sflag:$0x3] =	stream.linear.gather [hbm4b:s8+s2], $0x50, $0x38;
	[tilespmem:$0x1C900] =	vst v63  }
0x5f: {  	_ =	swait.ge [sflag:s23], $0x50  }
0x60: {  	[sflag:s23] =	ssyncset.done $0x0  }
0x61: {  	[sflag:s23] =	ssyncadd.s32 $0xFFFFFFB0  }
0x62: {  	[tilespmem:s2], [sflag:$0x1] =	stream.indirect.gather [hbm4b:s6+s30], $0x90, s26, s30, $0xb8;
	[tilespmem:$0x1C900] =	vst v63  }
0x63: {  	s8 =	simm.s32 $0x5A00  }
0x64: {  	[tilespmem:s8], [sflag:$0x2] =	stream.indirect.gather [hbm4b:s7+s30], $0x10, s28, s30, $0xb8;
	[tilespmem:$0x1C900] =	vst v63  }
0x65: {  	_ =	swait.ge [sflag:s31], $0x2D00  }
0x66: {  	v2 =	vmov s2;
	[sflag:s31] =	ssyncset.done $0x0  }
0x67: {  	[sflag:s31] =	ssyncadd.s32 $0xFFFFD300  }
0x68: {  	_ =	swait.ge [sflag:s0], $0x500  }
0x69: {  	[sflag:s0] =	ssyncset.done $0x0  }
0x6a: {  	[sflag:s0] =	ssyncadd.s32 $0xFFFFFB00  }
0x6b: {  	v3 =	vld.idx.msk [tilespmem:v2+s29+$0x0], $0xffff;
	_ =	sdelay $0x4  }
0x6c: {  	v3 =	vshll.u32 v3, $0x4  }
0x6d: {  	v3 =	vor.u32 v1, v3;
	_ =	sdelay $0x1  }
0x6e: {  	s9 =	simm.s32 $0x40;
	v4 =	vld [tilespmem:s8+$0x0]  }
0x6f: {  	v5 =	vld [tilespmem:s9+$0x40];
	_ =	sdelay $0x1  }
0x70: {  	v3 =	vld.idx.msk [tilespmem:v3+s22+$0x0], $0xffff;
	_ =	sdelay $0x2  }
0x71: {  	v4 =	vadd.f32 v4, v5;
	_ =	sdelay $0x1  }
0x72: {  	v3 =	vadd.f32 v3, v4;
	v4 =	vld [tilespmem:$0x60F0];
	_ =	sdelay $0x1  }
0x73: {  	v5 =	vmul.f32 $2.000000030e-01, v3;
	_ =	sdelay $0x1  }
0x74: {  	v3 =	vmax.f32 v3, v5  }
0x75: {  	v3 =	vsub.f32 v3, v4;
	_ =	sdelay $0x1  }
0x76: {  	v3 =	vmul.f32 $1.442695020e+00, v3;
	_ =	sdelay $0x1  }
0x77: {  	(erf) = vpow2.f32 v3;
	_ =	sdelay $0x3  }
0x78: {  	v2 =	vmul.u32 $0x90, v2;
	_ =	sdelay $0x1  }
0x79: {  	v3 =	vadd.s32 $0x80, v2;
	_ =	sdelay $0x2  }
0x7a: {  	s13 =	simm.s32 $0x2D40;
	v4 =	vpop (erf)  }
0x7b: {  	[tilespmem:s13+$0x40] =	vst v4  }
0x7c: {  	v3 =	vld.idx.msk [tilespmem:v3+s25+$0x0], $0xffff  }
0x7d: {  	v4 =	vld [tilespmem:s9+$0xFFFFFFC0];
	_ =	sdelay $0x2  }
0x7e: {  	v5 =	vadd.s32 $0x81, v2;
	_ =	sdelay $0x1  }
0x7f: {  	v3 =	vmul.f32 v4, v3;
	_ =	sdelay $0x1  }
0x80: {  	[tilespmem:s13+$0xFFFFFFC0] =	vst v3  }
0x81: {  	v3 =	vld.idx.msk [tilespmem:v5+s25+$0x0], $0xffff  }
0x82: {  	v4 =	vld [tilespmem:s9+$0xFFFFFFD0];
	_ =	sdelay $0x2  }
0x83: {  	v5 =	vadd.s32 $0x82, v2;
	_ =	sdelay $0x1  }
0x84: {  	v3 =	vmul.f32 v4, v3;
	_ =	sdelay $0x1  }
0x85: {  	[tilespmem:s13+$0xFFFFFFD0] =	vst v3  }
0x86: {  	v3 =	vld.idx.msk [tilespmem:v5+s25+$0x0], $0xffff  }
0x87: {  	v4 =	vld [tilespmem:s9+$0xFFFFFFE0];
	_ =	sdelay $0x2  }
0x88: {  	v5 =	vadd.s32 $0x83, v2;
	_ =	sdelay $0x1  }
0x89: {  	v3 =	vmul.f32 v4, v3;
	_ =	sdelay $0x1  }
0x8a: {  	[tilespmem:s13+$0xFFFFFFE0] =	vst v3  }
0x8b: {  	v3 =	vld.idx.msk [tilespmem:v5+s25+$0x0], $0xffff  }
0x8c: {  	v4 =	vld [tilespmem:s9+$0xFFFFFFF0];
	_ =	sdelay $0x2  }
0x8d: {  	v5 =	vadd.s32 $0x84, v2;
	_ =	sdelay $0x1  }
0x8e: {  	v3 =	vmul.f32 v4, v3;
	_ =	sdelay $0x1  }
0x8f: {  	[tilespmem:s13+$0xFFFFFFF0] =	vst v3  }
0x90: {  	v3 =	vld.idx.msk [tilespmem:v5+s25+$0x0], $0xffff  }
0x91: {  	v4 =	vld [tilespmem:s9+$0x0];
	_ =	sdelay $0x2  }
0x92: {  	v5 =	vadd.s32 $0x85, v2;
	_ =	sdelay $0x1  }
0x93: {  	v3 =	vmul.f32 v4, v3;
	_ =	sdelay $0x1  }
0x94: {  	[tilespmem:s13+$0x0] =	vst v3  }
0x95: {  	v3 =	vld.idx.msk [tilespmem:v5+s25+$0x0], $0xffff  }
0x96: {  	v4 =	vld [tilespmem:s9+$0x10];
	_ =	sdelay $0x2  }
0x97: {  	v5 =	vadd.s32 $0x86, v2;
	_ =	sdelay $0x1  }
0x98: {  	v3 =	vmul.f32 v4, v3;
	_ =	sdelay $0x1  }
0x99: {  	[tilespmem:s13+$0x10] =	vst v3  }
0x9a: {  	v3 =	vld.idx.msk [tilespmem:v5+s25+$0x0], $0xffff  }
0x9b: {  	v4 =	vld [tilespmem:s9+$0x20];
	_ =	sdelay $0x2  }
0x9c: {  	v2 =	vadd.s32 $0x87, v2;
	_ =	sdelay $0x1  }
0x9d: {  	v3 =	vmul.f32 v4, v3;
	_ =	sdelay $0x1  }
0x9e: {  	[tilespmem:s13+$0x20] =	vst v3  }
0x9f: {  	v4 =	vld.idx.msk [tilespmem:v2+s25+$0x0], $0xffff  }
0xa0: {  	v5 =	vld [tilespmem:s9+$0x30];
	_ =	sdelay $0x1  }
0xa1: {  	s12 =	simm.s32 $0x1  }
0xa2: {  	v3 =	vmov s12;
	_ =	sdelay $0x1  }
0xa3: {  	s14 =	simm.s32 $0x2;
	s12 =	simm.s32 $0x2DD0;
	v2 =	vmul.u32 $0x90, v3;
	v4 =	vmul.f32 v5, v4  }
.LBB2_5:
0xa4: {  	s8 =	sadd.s32 $0x10, s8;
	s9 =	sadd.s32 $0x90, s9  }
0xa5: {  	[tilespmem:s13+$0x30] =	vst v4;
	s15 =	smov.u32 s14;
	s16 =	sadd.s32 $0x1, s14;
	s13 =	smov.u32 s12  }
0xa6: {  	p0 =	sne.s32 s14, $0x4F;
	v3 =	vld.idx.msk [tilespmem:v3+s29+$0x0], $0xffff;
	_ =	sdelay $0x5  }
0xa7: {  	v3 =	vshll.u32 v3, $0x4  }
0xa8: {  	v3 =	vor.u32 v1, v3;
	_ =	sdelay $0x2  }
0xa9: {  	v4 =	vld [tilespmem:s8+$0x0]  }
0xaa: {  	v5 =	vld [tilespmem:s9+$0x40]  }
0xab: {  	v3 =	vld.idx.msk [tilespmem:v3+s22+$0x0], $0xffff;
	_ =	sdelay $0x3  }
0xac: {  	v4 =	vadd.f32 v4, v5;
	_ =	sdelay $0x1  }
0xad: {  	v3 =	vadd.f32 v3, v4;
	v4 =	vld [tilespmem:$0x60F0];
	_ =	sdelay $0x1  }
0xae: {  	v5 =	vmul.f32 $2.000000030e-01, v3;
	_ =	sdelay $0x1  }
0xaf: {  	v3 =	vmax.f32 v3, v5  }
0xb0: {  	v3 =	vsub.f32 v3, v4;
	_ =	sdelay $0x1  }
0xb1: {  	v3 =	vmul.f32 $1.442695020e+00, v3;
	_ =	sdelay $0x1  }
0xb2: {  	(erf) = vpow2.f32 v3;
	_ =	sdelay $0x5  }
0xb3: {  	v3 =	vadd.s32 $0x80, v2;
	_ =	sdelay $0x2  }
0xb4: {  	v4 =	vpop (erf)  }
0xb5: {  	[tilespmem:s12+$0x40] =	vst v4  }
0xb6: {  	v3 =	vld.idx.msk [tilespmem:v3+s25+$0x0], $0xffff  }
0xb7: {  	v4 =	vld [tilespmem:s9+$0xFFFFFFC0];
	_ =	sdelay $0x2  }
0xb8: {  	v5 =	vadd.s32 $0x81, v2;
	_ =	sdelay $0x1  }
0xb9: {  	v3 =	vmul.f32 v4, v3;
	_ =	sdelay $0x1  }
0xba: {  	[tilespmem:s12+$0xFFFFFFC0] =	vst v3  }
0xbb: {  	v3 =	vld.idx.msk [tilespmem:v5+s25+$0x0], $0xffff  }
0xbc: {  	v4 =	vld [tilespmem:s9+$0xFFFFFFD0];
	_ =	sdelay $0x2  }
0xbd: {  	v5 =	vadd.s32 $0x82, v2;
	_ =	sdelay $0x1  }
0xbe: {  	v3 =	vmul.f32 v4, v3;
	_ =	sdelay $0x1  }
0xbf: {  	[tilespmem:s12+$0xFFFFFFD0] =	vst v3  }
0xc0: {  	v3 =	vld.idx.msk [tilespmem:v5+s25+$0x0], $0xffff  }
0xc1: {  	v4 =	vld [tilespmem:s9+$0xFFFFFFE0];
	_ =	sdelay $0x2  }
0xc2: {  	v5 =	vadd.s32 $0x83, v2;
	_ =	sdelay $0x1  }
0xc3: {  	v3 =	vmul.f32 v4, v3;
	_ =	sdelay $0x1  }
0xc4: {  	[tilespmem:s12+$0xFFFFFFE0] =	vst v3  }
0xc5: {  	v3 =	vld.idx.msk [tilespmem:v5+s25+$0x0], $0xffff  }
0xc6: {  	v4 =	vld [tilespmem:s9+$0xFFFFFFF0];
	_ =	sdelay $0x2  }
0xc7: {  	v5 =	vadd.s32 $0x84, v2;
	_ =	sdelay $0x1  }
0xc8: {  	v3 =	vmul.f32 v4, v3;
	_ =	sdelay $0x1  }
0xc9: {  	[tilespmem:s12+$0xFFFFFFF0] =	vst v3  }
0xca: {  	v3 =	vld.idx.msk [tilespmem:v5+s25+$0x0], $0xffff  }
0xcb: {  	v4 =	vld [tilespmem:s9+$0x0];
	_ =	sdelay $0x2  }
0xcc: {  	v5 =	vadd.s32 $0x85, v2;
	_ =	sdelay $0x1  }
0xcd: {  	v3 =	vmul.f32 v4, v3;
	_ =	sdelay $0x1  }
0xce: {  	[tilespmem:s12+$0x0] =	vst v3  }
0xcf: {  	v3 =	vld.idx.msk [tilespmem:v5+s25+$0x0], $0xffff  }
0xd0: {  	v4 =	vld [tilespmem:s9+$0x10];
	_ =	sdelay $0x2  }
0xd1: {  	v5 =	vadd.s32 $0x86, v2;
	_ =	sdelay $0x1  }
0xd2: {  	v3 =	vmul.f32 v4, v3;
	_ =	sdelay $0x1  }
0xd3: {  	[tilespmem:s12+$0x10] =	vst v3  }
0xd4: {  	v3 =	vld.idx.msk [tilespmem:v5+s25+$0x0], $0xffff  }
0xd5: {  	v4 =	vld [tilespmem:s9+$0x20];
	_ =	sdelay $0x2  }
0xd6: {  	v2 =	vadd.s32 $0x87, v2;
	_ =	sdelay $0x1  }
0xd7: {  	v3 =	vmul.f32 v4, v3;
	_ =	sdelay $0x1  }
0xd8: {  	[tilespmem:s12+$0x20] =	vst v3  }
0xd9: {  	v4 =	vld.idx.msk [tilespmem:v2+s25+$0x0], $0xffff  }
0xda: {  	v5 =	vld [tilespmem:s9+$0x30];
	_ =	sdelay $0x1  }
.Ltmp1:
0xdb: {  	(pc) =	sbr.rel @p0 .LBB2_5-.Ltmp1, $4  }
0xdc: {  	v3 =	vmov s15  }
0xdd: {  	v2 =	vmul.u32 $0x90, v3  }
0xde: {  	v4 =	vmul.f32 v5, v4  }
0xdf: {  	s14 =	smov.u32 s16;
	s12 =	sadd.s32 $0x90, s12  }
0xe0: {  	_ =	sdelay $0x2  }
0xe1: {  	[tilespmem:s13+$0x30] =	vst v4  }
0xe2: {  	v3 =	vld.idx.msk [tilespmem:v3+s29+$0x0], $0xffff;
	_ =	sdelay $0x4  }
0xe3: {  	v3 =	vshll.u32 v3, $0x4  }
0xe4: {  	v3 =	vor.u32 v1, v3  }
0xe5: {  	s8 =	sadd.s32 $0x10, s8  }
0xe6: {  	s9 =	sadd.s32 $0x90, s9;
	v4 =	vld [tilespmem:s8+$0x0]  }
0xe7: {  	v5 =	vld [tilespmem:s9+$0x40];
	_ =	sdelay $0x1  }
0xe8: {  	v3 =	vld.idx.msk [tilespmem:v3+s22+$0x0], $0xffff;
	_ =	sdelay $0x2  }
0xe9: {  	v4 =	vadd.f32 v4, v5;
	_ =	sdelay $0x1  }
0xea: {  	v49 =	vld [tilespmem:$0x60F0];
	v3 =	vadd.f32 v3, v4;
	_ =	sdelay $0x1  }
0xeb: {  	v50 =	vmul.f32 $2.000000030e-01, v3;
	_ =	sdelay $0x1  }
0xec: {  	v3 =	vmax.f32 v3, v50  }
0xed: {  	v3 =	vsub.f32 v3, v49;
	_ =	sdelay $0x1  }
0xee: {  	v3 =	vmul.f32 $1.442695020e+00, v3;
	_ =	sdelay $0x1  }
0xef: {  	(erf) = vpow2.f32 v3;
	_ =	sdelay $0x5  }
0xf0: {  	v3 =	vadd.s32 $0x80, v2;
	_ =	sdelay $0x2  }
0xf1: {  	v51 =	vpop (erf)  }
0xf2: {  	[tilespmem:s12+$0x40] =	vst v51  }
0xf3: {  	v3 =	vld.idx.msk [tilespmem:v3+s25+$0x0], $0xffff  }
0xf4: {  	v4 =	vld [tilespmem:s9+$0xFFFFFFC0];
	_ =	sdelay $0x2  }
0xf5: {  	v52 =	vadd.s32 $0x81, v2;
	_ =	sdelay $0x1  }
0xf6: {  	v3 =	vmul.f32 v4, v3;
	_ =	sdelay $0x1  }
0xf7: {  	[tilespmem:s12+$0xFFFFFFC0] =	vst v3  }
0xf8: {  	v3 =	vld.idx.msk [tilespmem:v52+s25+$0x0], $0xffff  }
0xf9: {  	v53 =	vld [tilespmem:s9+$0xFFFFFFD0];
	_ =	sdelay $0x2  }
0xfa: {  	v54 =	vadd.s32 $0x82, v2;
	_ =	sdelay $0x1  }
0xfb: {  	v3 =	vmul.f32 v53, v3;
	_ =	sdelay $0x1  }
0xfc: {  	[tilespmem:s12+$0xFFFFFFD0] =	vst v3  }
0xfd: {  	v3 =	vld.idx.msk [tilespmem:v54+s25+$0x0], $0xffff  }
0xfe: {  	v55 =	vld [tilespmem:s9+$0xFFFFFFE0];
	_ =	sdelay $0x2  }
0xff: {  	v56 =	vadd.s32 $0x83, v2;
	_ =	sdelay $0x1  }
0x100: {  	v3 =	vmul.f32 v55, v3;
	_ =	sdelay $0x1  }
0x101: {  	[tilespmem:s12+$0xFFFFFFE0] =	vst v3  }
0x102: {  	v3 =	vld.idx.msk [tilespmem:v56+s25+$0x0], $0xffff  }
0x103: {  	v57 =	vld [tilespmem:s9+$0xFFFFFFF0];
	_ =	sdelay $0x2  }
0x104: {  	v58 =	vadd.s32 $0x84, v2;
	_ =	sdelay $0x1  }
0x105: {  	v3 =	vmul.f32 v57, v3;
	_ =	sdelay $0x1  }
0x106: {  	[tilespmem:s12+$0xFFFFFFF0] =	vst v3  }
0x107: {  	v3 =	vld.idx.msk [tilespmem:v58+s25+$0x0], $0xffff  }
0x108: {  	v59 =	vld [tilespmem:s9+$0x0];
	_ =	sdelay $0x2  }
0x109: {  	v60 =	vadd.s32 $0x85, v2;
	_ =	sdelay $0x1  }
0x10a: {  	v3 =	vmul.f32 v59, v3;
	_ =	sdelay $0x1  }
0x10b: {  	[tilespmem:s12+$0x0] =	vst v3  }
0x10c: {  	v3 =	vld.idx.msk [tilespmem:v60+s25+$0x0], $0xffff  }
0x10d: {  	v61 =	vld [tilespmem:s9+$0x10];
	_ =	sdelay $0x2  }
0x10e: {  	v62 =	vadd.s32 $0x86, v2;
	_ =	sdelay $0x1  }
0x10f: {  	v3 =	vmul.f32 v61, v3;
	_ =	sdelay $0x1  }
0x110: {  	[tilespmem:s12+$0x10] =	vst v3  }
0x111: {  	v3 =	vld.idx.msk [tilespmem:v62+s25+$0x0], $0xffff  }
0x112: {  	v63 =	vld [tilespmem:s9+$0x20];
	_ =	sdelay $0x2  }
0x113: {  	v2 =	vadd.s32 $0x87, v2;
	_ =	sdelay $0x1  }
0x114: {  	v3 =	vmul.f32 v63, v3;
	_ =	sdelay $0x1  }
0x115: {  	[tilespmem:s12+$0x20] =	vst v3  }
0x116: {  	v2 =	vld.idx.msk [tilespmem:v2+s25+$0x0], $0xffff  }
0x117: {  	v3 =	vld [tilespmem:s9+$0x30];
	_ =	sdelay $0x4  }
0x118: {  	s5 =	sadd.s32 $0x1, s5;
	v2 =	vmul.f32 v3, v2  }
0x119: {  	p0 =	sne.s32 s5, $0x7D  }
.Ltmp2:
0x11a: {  	[tilespmem:s12+$0x30] =	vst v2;
	(pc) =	sbr.rel @p0 .LBB2_4-.Ltmp2, $4  }
0x11b: {  	[spmem:s4] =	stream.indirect.scatter.add.f32 [tilespmem:s25], [sflag:$0x3], $0x90, s28, s30, $0xb8;
	[tilespmem:$0x1C900] =	vst v63  }
0x11c: {  	_ =	swait.ge [sflag:s23], $0x2D00  }
0x11d: {  	[sflag:s23] =	ssyncset.done $0x0  }
0x11e: {  	[sflag:s23] =	ssyncadd.s32 $0xFFFFD300  }
0x11f: {  	s2 =	stileid.u32;
	s24 =	sadd.s32 $0x1, s24  }
0x120: {  	[bflag:$0x0] =	sbarrier.arrive $0xFFFF;
	s2 =	sshll.u32 s2, $0x6;
	p0 =	sne.s32 s24, s21  }
.Ltmp3:
0x121: {  	s5 =	sshrl.u32 s11, $0x3;
	s2 =	sor.u32 $0x1C03, s2;
	(pc) =	sbr.rel @p0 .LBB2_1-.Ltmp3, $4  }
0x122: {  	[hbm:s20], [sflag:s2] =	dma.local [spmem:s5], $0x2D00  }
0x123: {  	_ =	swait.ge [sflag:s23], $0x2D00  }
0x124: {  	[sflag:s23] =	ssyncset.done $0x0  }
0x125: {  	[sflag:s23] =	ssyncadd.s32 $0xFFFFD300  }
0x126: {  	_ =	sfence.sel $0x180000  }
0x127: {  	[bflag:$0x0] =	sbarrier.arrive $0xFFFF  }
0x128: {  	_ =	strace $0x9000004A  }
0x129: {  	s0 =	stileid.u32;
	[bflag:$0x2] =	sbarrier.arrive $0xFFFF  }
0x12a: {  	p0 =	sne.s32 s0, $0x0;
	s0 =	rddreg [dreg:$0x4]  }
0x12b: {  	s0 =	sadd.s32 @!p0 $0x100000, s0  }
0x12c: {  	[sflag:s0] =	ssyncadd.tile.s32 @!p0 $0x1;
	_ =	shalt  }
.Lfunc_end2:
_tile_overlayer_lowered:
.L_overlay_start_2:
0x12d: {  	(tag) =	ssettag $0x2  }
0x12e: {  	s0 =	rddreg [dreg:$0x0];
	s2 =	stileid.u32  }
0x12f: {  	s1 =	rddreg [dreg:$0x1];
	p0 =	sne.s32 s2, $0x0  }
0x130: {  	s3 =	rddreg [dreg:$0x2];
	[bflag:$0x3] =	sbarrier.arrive $0xFFFF;
	s2 =	simm.s32 @!p0 $0x1C03  }
0x131: {  	[timem:s3], [sflag:s2] =	dma.local @!p0 [hbm:s0], s1  }
0x132: {  	s0 =	simm.s32 @!p0 $0x3  }
0x133: {  	_ =	swait.ge @!p0 [sflag:s0], s1  }
0x134: {  	s1 =	ssub.s32 @!p0 $0x0, s1;
	[sflag:s0] =	ssyncset.done @!p0 $0x0  }
0x135: {  	[sflag:s0] =	ssyncadd.s32 @!p0 s1  }
0x136: {  	[bflag:$0x3] =	sbarrier.arrive $0xFFFF  }
0x137: {  	_ =	shalt  }

// kernel: kernel.8.cloned.1.call-start
scs
__scs_entry_jumppad:
0x0: {  	(pc) =	sbr.rel $0x88, $3  }
0x1: {  	(tag) =	ssettag $0x0;
	lr =	simm.s32 $0x1  }
0x2: {  	[smem:$0x3F91] =	sst lr;
	_ =	strace $0xD0000000  }
0x3: {  	_ = 	snop  }
0x4: {  	_ = 	snop  }
0x5: {  	_ = 	snop  }
0x6: {  	_ = 	snop  }
0x7: {  	_ = 	snop  }
__scs_overlays_trampoline_lowered:
0x8: {  	[smem:$0x3FA0] =	sst s0  }
0x9: {  	[smem:$0x3FA1] =	sst s1  }
0xa: {  	[smem:$0x3FA2] =	sst s2  }
0xb: {  	[smem:$0x3FA3] =	sst s3  }
0xc: {  	[smem:$0x3FA4] =	sst s4  }
0xd: {  	[smem:$0x3FA5] =	sst s5  }
0xe: {  	[smem:$0x3FA6] =	sst s6  }
0xf: {  	[smem:$0x3FA7] =	sst s7  }
0x10: {  	[smem:$0x3FA8] =	sst s8  }
0x11: {  	[smem:$0x3FA9] =	sst s9;
	s0 =	simm.s32 @!p0 $0x0  }
0x12: {  	s1 =	sld [smem:$0x3F8F];
	s0 =	simm.s32 @p0 $0x1  }
0x13: {  	[smem:$0x3FAA] =	sst s0;
	s0 =	simm.s32 @!p1 $0x0  }
0x14: {  	s2 =	sld [smem:$0x3F8E];
	s0 =	simm.s32 @p1 $0x1  }
0x15: {  	[smem:$0x3FAB] =	sst s0;
	s0 =	simm.s32 @!p2 $0x0  }
0x16: {  	s3 =	sld [smem:$0x3FDB];
	s0 =	simm.s32 @p2 $0x1  }
0x17: {  	s4 =	simm.s32 $0x1BF5;
	[smem:$0x3FAD] =	sst s0  }
0x18: {  	s0 =	sld [smem:$0x3F90];
	_ =	swait.ge [sflag:s4], $0x0  }
0x19: {  	s7 =	sld [smem:$0x3F91]  }
0x1a: {  	s8 =	sadd.s32 $0xFFFFE003, lr  }
0x1b: {  	s9 =	sadd.s32 $0xFFFFFEF7, lr;
	s5 =	simm.s32 $0xFFFFFFFF;
	p2 =	slt.u32 s8, $0xFFFFF086  }
0x1c: {  	p1 =	slt.u32 s9, $0xF7A;
	s5 =	simm.s32 @!p2 $0x0  }
0x1d: {  	s5 =	simm.s32 @p1 $0x1;
	p0 =	seq.s32 s7, s2  }
0x1e: {  	s7 =	smul.u32 @!p0 $0xF7A, s2;
	p2 =	seq.s32 @!p0 s5, $0x0  }
0x1f: {  	s9 =	smul.u32 $0xF7A, s1;
	s8 =	simm.s32 @!p0 $0x1BF5;
	p2 =	por !p2, p0  }
0x20: {  	[sflag:s8] =	ssyncset.s32 @!p0 $0xFFFFF086;
	s6 =	sadd.s32 @!p0 s3, s7;
	s7 =	simm.s32 @!p0 $0x108  }
0x21: {  	s3 =	sadd.s32 s3, s9;
	s6 =	sadd.s32 @!p0 $0x88, s6;
	s7 =	simm.s32 @p2 $0x1082  }
0x22: {  	[simem:s7], [sflag:s8] =	dma.local @!p0 [hbm:s6], $0xF7A  }
0x23: {  	s9 =	sor.u32 $0xD0000000, s2;
	s6 =	simm.s32 $0x108;
	_ =	swait.ge @!p0 [sflag:s8], $0x0  }
0x24: {  	s3 =	sadd.s32 $0x88, s3;
	s6 =	simm.s32 @!p1 $0x1082;
	[sflag:s4] =	ssyncset.s32 $0xFFFFF086  }
0x25: {  	[simem:s6], [sflag:s4] =	dma.local [hbm:s3], $0xF7A  }
0x26: {  	[smem:$0x3F91] =	sst s1;
	(tag) =	ssettag s2;
	_ =	strace s9  }
0x27: {  	s1 =	sld [smem:$0x3FA1]  }
0x28: {  	s2 =	sld [smem:$0x3FA2]  }
0x29: {  	s4 =	sld [smem:$0x3FA4]  }
0x2a: {  	p0 =	seq.s32 s5, $0x0;
	s5 =	sld [smem:$0x3FA5]  }
0x2b: {  	s6 =	sld [smem:$0x3FA6]  }
0x2c: {  	s7 =	sld [smem:$0x3FA7]  }
0x2d: {  	s3 =	simm.s32 $0x108;
	s8 =	sld [smem:$0x3FA8]  }
0x2e: {  	s3 =	simm.s32 @!p0 $0x1082;
	s9 =	sld [smem:$0x3FA9]  }
0x2f: {  	lr =	sadd.s32 s0, s3;
	s0 =	sld [smem:$0x3FA0]  }
0x30: {  	s3 =	sld [smem:$0x3FA3]  }
0x31: {  	[smem:$0x3FAC] =	sst s10  }
0x32: {  	s10 =	sld [smem:$0x3FAA];
	_ =	sdelay $0x3  }
0x33: {  	p0 =	seq.s32 s10, $0x1;
	s10 =	sld [smem:$0x3FAC];
	_ =	sdelay $0x3  }
0x34: {  	[smem:$0x3FAC] =	sst s10  }
0x35: {  	s10 =	sld [smem:$0x3FAB];
	_ =	sdelay $0x3  }
0x36: {  	p1 =	seq.s32 s10, $0x1;
	s10 =	sld [smem:$0x3FAC];
	_ =	sdelay $0x3  }
0x37: {  	[smem:$0x3FAC] =	sst s10  }
0x38: {  	s10 =	sld [smem:$0x3FAD]  }
0x39: {  	_ = 	snop;
	(pc) =	sbr.ind lr, $3  }
0x3a: {  	_ = 	snop  }
0x3b: {  	_ = 	snop  }
0x3c: {  	p2 =	seq.s32 s10, $0x1;
	s10 =	sld [smem:$0x3FAC]  }
0x3d: {  	_ =	shalt  }
0x3e: {  	_ =	shalt  }
0x3f: {  	_ =	shalt  }
0x40: {  	_ =	shalt  }
0x41: {  	_ =	shalt  }
0x42: {  	_ =	shalt  }
0x43: {  	_ =	shalt  }
0x44: {  	_ =	shalt  }
0x45: {  	_ =	shalt  }
0x46: {  	_ =	shalt  }
0x47: {  	_ =	shalt  }
0x48: {  	_ =	shalt  }
0x49: {  	_ =	shalt  }
0x4a: {  	_ =	shalt  }
0x4b: {  	_ =	shalt  }
0x4c: {  	_ =	shalt  }
0x4d: {  	_ =	shalt  }
0x4e: {  	_ =	shalt  }
0x4f: {  	_ =	shalt  }
0x50: {  	_ =	shalt  }
0x51: {  	_ =	shalt  }
0x52: {  	_ =	shalt  }
0x53: {  	_ =	shalt  }
0x54: {  	_ =	shalt  }
0x55: {  	_ =	shalt  }
0x56: {  	_ =	shalt  }
0x57: {  	_ =	shalt  }
0x58: {  	_ =	shalt  }
0x59: {  	_ =	shalt  }
0x5a: {  	_ =	shalt  }
0x5b: {  	_ =	shalt  }
0x5c: {  	_ =	shalt  }
0x5d: {  	_ =	shalt  }
0x5e: {  	_ =	shalt  }
0x5f: {  	_ =	shalt  }
0x60: {  	_ =	shalt  }
0x61: {  	_ =	shalt  }
0x62: {  	_ =	shalt  }
0x63: {  	_ =	shalt  }
0x64: {  	_ =	shalt  }
0x65: {  	_ =	shalt  }
0x66: {  	_ =	shalt  }
0x67: {  	_ =	shalt  }
0x68: {  	_ =	shalt  }
0x69: {  	_ =	shalt  }
0x6a: {  	_ =	shalt  }
0x6b: {  	_ =	shalt  }
0x6c: {  	_ =	shalt  }
0x6d: {  	_ =	shalt  }
0x6e: {  	_ =	shalt  }
0x6f: {  	_ =	shalt  }
0x70: {  	_ =	shalt  }
0x71: {  	_ =	shalt  }
0x72: {  	_ =	shalt  }
0x73: {  	_ =	shalt  }
0x74: {  	_ =	shalt  }
0x75: {  	_ =	shalt  }
0x76: {  	_ =	shalt  }
0x77: {  	_ =	shalt  }
0x78: {  	_ =	shalt  }
0x79: {  	_ =	shalt  }
0x7a: {  	_ =	shalt  }
0x7b: {  	_ =	shalt  }
0x7c: {  	_ =	shalt  }
0x7d: {  	_ =	shalt  }
0x7e: {  	_ =	shalt  }
0x7f: {  	_ =	shalt  }
0x80: {  	_ =	shalt  }
0x81: {  	_ =	shalt  }
0x82: {  	_ =	shalt  }
0x83: {  	_ =	shalt  }
0x84: {  	_ =	shalt  }
0x85: {  	_ =	shalt  }
0x86: {  	_ =	shalt  }
0x87: {  	_ =	shalt  }
.Lfunc_end0:
.L_simem_size_0:
called_computation_lowered:
.L_overlay_start_0:
0x88: {  	s2 =	sld [smem:$0x3FD9]  }
0x89: {  	s3 =	sld [smem:$0x3FFE];
	_ =	sdelay $0x1  }
0x8a: {  	s1 =	srdreg.scid  }
0x8b: {  	s0 =	sand.u32 $0x1, s1  }
0x8c: {  	s17 =	sshll.u32 s0, $0xA;
	s2 =	sadd.s32 s3, s2  }
0x8d: {  	s2 =	sadd.s32 s2, s17  }
0x8e: {  	[smem:$0x3FB8] =	sst s2  }
0x8f: {  	_ = 	snop  }
0x90: {  	s2 =	sld [smem:$0x3FC7]  }
0x91: {  	s18 =	sld [smem:$0x3FD0];
	(tm) =	ssettm $0x1  }
0x92: {  	s4 =	sld [smem:$0x3FFB];
	_ =	sdelay $0x3  }
0x93: {  	_ =	strace s4  }
0x94: {  	s4 =	sld [smem:$0x3FFC];
	_ =	sdelay $0x3  }
0x95: {  	_ =	strace s4  }
0x96: {  	s4 =	sld [smem:$0x3FFD];
	_ =	sdelay $0x3  }
0x97: {  	_ =	strace s4  }
0x98: {  	_ =	strace $0x8FFFFFFF  }
0x99: {  	s19 =	sld [smem:$0x3FDB];
	_ =	sdelay $0x1  }
0x9a: {  	s5 =	simm.s32 $_scs_section_size  }
0x9b: {  	s6 =	simm.s32 $_size__tile_overlayer_lowered;
	s7 =	simm.s32 $_tile_overlayer_lowered  }
0x9c: {  	s22 =	simm.s32 $0x1BFF;
	s21 =	sshll.u32 s7, $0x1;
	s4 =	sadd.s32 s5, s19  }
0x9d: {  	s8 =	simm.s32 $0x0;
	s20 =	sshll.u32 s6, $0x1;
	s6 =	sadd.s32 s21, s4  }
0x9e: {  	[timem:s8], [sflag:s22] =	dma.local [hbm:s6], s20  }
0x9f: {  	_ =	swait.ge [sflag:s22], s20  }
0xa0: {  	s5 =	ssub.s32 $0x0, s20;
	[sflag:s22] =	ssyncset.done $0x0  }
0xa1: {  	[sflag:s22] =	ssyncadd.s32 s5;
	_ =	sdelay $0x1  }
0xa2: {  	s23 =	simm.s32 $0x1B8B  }
0xa3: {  	_ =	swait.ge [sflag:s23], $0x1  }
0xa4: {  	[sflag:s23] =	ssyncset.done $0x0  }
0xa5: {  	s25 =	simm.s32 $0x1B8E;
	s24 =	sld [smem:$0x3FFE];
	[sflag:s23] =	ssyncadd.s32 $0xFFFFFFFF  }
0xa6: {  	s26 =	simm.s32 $execute0_lowered;
	[smem:$0x3FD2] =	sst s25  }
0xa7: {  	s6 =	sshll.u32 s26, $0x1;
	_ =	strace $0x80000046;
	[dreg:$0x1] =	wrdreg $0xFFFFFFFF  }
0xa8: {  	s28 =	simm.s32 $_size_execute0_lowered;
	s4 =	sadd.s32 s4, s6;
	[dreg:$0x0] =	wrdreg $0x0  }
0xa9: {  	s6 =	sshll.u32 s28, $0x1;
	[dreg:$0x2] =	wrdreg s4  }
0xaa: {  	[dreg:$0x3] =	wrdreg s6  }
0xab: {  	[dreg:$0x4] =	wrdreg $0xC0  }
0xac: {  	_ =	task [dreg:s8], $0x5FFFF  }
0xad: {  	[dreg:$0x1] =	wrdreg $0xFFFFFFFF  }
0xae: {  	[dreg:$0x0] =	wrdreg $0x60  }
0xaf: {  	[dreg:$0x2] =	wrdreg s24  }
0xb0: {  	[dreg:$0x3] =	wrdreg s18  }
0xb1: {  	[dreg:$0x4] =	wrdreg s2  }
0xb2: {  	[dreg:$0x5] =	wrdreg $0x61000  }
0xb3: {  	[dreg:$0x6] =	wrdreg $0x9  }
0xb4: {  	_ =	task.clear_ibuf [dreg:s8], $0x7FFFF;
	_ =	strace $0x90000046  }
0xb5: {  	s29 =	simm.s32 $0x9;
	_ =	strace $0x80000048  }
0xb6: {  	_ =	swait.ge [sflag:s29], $0x1  }
0xb7: {  	[sflag:s29] =	ssyncadd.s32 $0xFFFFFFFF  }
0xb8: {  	_ =	strace $0x90000048  }
0xb9: {  	_ =	sfence  }
0xba: {  	s30 =	sld [smem:$0x0];
	_ =	sdelay $0x2  }
0xbb: {  	s31 =	sshll.u32 s1, $0xD;
	s1 =	sshrl.u32 s1, $0x2  }
0xbc: {  	s3 =	sand.u32 $0x4000, s31;
	s1 =	sadd.s32 s1, s30  }
0xbd: {  	s0 =	sor.u32 s3, s0;
	s1 =	sshll.u32 s1, $0x11  }
0xbe: {  	s0 =	sor.u32 s1, s0  }
0xbf: {  	s0 =	sadd.s32 $0x8F2B, s0  }
0xc0: {  	[sflag:s0] =	ssyncadd.remote.s32 $0x1  }
0xc1: {  	_ =	sfence.sel $0xFFFF  }
0xc2: {  	[dreg:$0x0] =	wrdreg $0xFFFFFFFF;
	(pc) =	sbr.abs _section_cstart, $3  }
0xc3: {  	[dreg:$0x1] =	wrdreg $0xFFFFFFFF  }
0xc4: {  	_ =	task.clear_ibuf [dreg:s8], $0x2FFFF;
	_ =	strace $0x9FFFFFFF  }
0xc5: {  	(tm) =	ssettm $0x7FFFFFFF  }
tec
execute0_lowered:
.L_overlay_start_1:
0x0: {  	(tag) =	ssettag $0x1  }
0x1: {  	s0 =	rddreg [dreg:$0x0]  }
0x2: {  	s1 =	rddreg [dreg:$0x1]  }
0x3: {  	s3 =	rddreg [dreg:$0x2]  }
0x4: {  	s4 =	rddreg [dreg:$0x3];
	s2 =	srdreg.scid  }
0x5: {  	s12 =	stileid.u32;
	s6 =	simm.s32 $0x0;
	s28 =	simm.s32 $0x5F50  }
0x6: {  	s29 =	simm.s32 $0x5FA0;
	s30 =	simm.s32 $0x50;
	s31 =	simm.s32 $0x1  }
0x7: {  	s2 =	sand.u32 $0x1, s2;
	s5 =	smul.u32 $0x16800, s12;
	[smem:$0x7FF] =	sst s6  }
0x8: {  	s6 =	sadd.s32 $0x1A00, s0;
	s7 =	sadd.s32 $0x2DA00, s0;
	s9 =	sadd.s32 $0x32A00, s0  }
0x9: {  	s18 =	sadd.s32 $0x1800, s0;
	s11 =	smul.u32 $0x5A000, s12;
	s10 =	sadd.s32 $0x32C00, s0  }
0xa: {  	s8 =	smul.u32 $0x168000, s2;
	_ =	strace $0x80000047;
	[dreg:$0x5] =	wrdreg s9  }
0xb: {  	[dreg:$0x6] =	wrdreg s18;
	s19 =	ssub.s32 $0x2, s2;
	s2 =	sshll.u32 s2, $0x4  }
0xc: {  	s20 =	sshrl.u32 s19, $0x1;
	s21 =	sshrl.u32 s11, $0x2;
	s2 =	sor.u32 s12, s2  }
0xd: {  	s11 =	sadd.s32 s5, s4;
	s8 =	sadd.s32 s5, s8;
	s22 =	sadd.s32 s21, s4  }
0xe: {  	s8 =	sshrl.u32 s8, $0x3;
	s9 =	sadd.s32 $0x2D00, s22;
	s23 =	sadd.s32 $0x5A00, s22  }
0xf: {  	s24 =	sadd.s32 $0x8700, s22;
	s25 =	sadd.s32 $0xB400, s22;
	[dreg:$0x7] =	wrdreg s9  }
0x10: {  	s26 =	sadd.s32 $0xE100, s22;
	s17 =	sadd.s32 $0x10E00, s22;
	[dreg:$0x8] =	wrdreg s23  }
0x11: {  	s18 =	sadd.s32 $0x13B00, s22;
	s22 =	simm.s32 $0x5FF0;
	[dreg:$0x9] =	wrdreg s24  }
0x12: {  	s0 =	sadd.s32 s8, s0;
	s8 =	ssub.s32 s19, s20;
	[dreg:$0xa] =	wrdreg s25  }
0x13: {  	[dreg:$0xb] =	wrdreg s26;
	s19 =	smul.u32 $0x2710, s2;
	s23 =	simm.s32 $0x3  }
0x14: {  	s25 =	simm.s32 $0x2D00;
	s26 =	simm.s32 $0x5F00;
	s24 =	simm.s32 $0x0  }
0x15: {  	v0 =	vimm.f32 $0.0e+00;
	v1 =	vlaneseq.u32;
	s20 =	sadd.s32 $0x3CA00, s0;
	s21 =	smax.u32 s8, $0x1;
	s0 =	simm.s32 $0x2  }
.LBB2_1:
0x16: {  	s2 =	simm.s32 $0x0;
	s5 =	rddreg [dreg:$0x5]  }
0x17: {  	[tilespmem:s22], [sflag:$0x3] =	stream.linear.gather [hbm4b:s5+s2], $0x100, $0x38;
	[tilespmem:$0x1C900] =	vst v63  }
0x18: {  	_ =	swait.ge [sflag:s23], $0x100  }
0x19: {  	[sflag:s23] =	ssyncset.done $0x0  }
0x1a: {  	s8 =	simm.s32 $0x60F0;
	s16 =	rddreg [dreg:$0x6];
	[sflag:s23] =	ssyncadd.s32 $0xFFFFFF00  }
0x1b: {  	[tilespmem:s8], [sflag:$0x3] =	stream.linear.gather [hbm4b:s16+s2], $0x10, $0x38;
	[tilespmem:$0x1C900] =	vst v63  }
0x1c: {  	_ =	swait.ge [sflag:s23], $0x10  }
0x1d: {  	[sflag:s23] =	ssyncset.done $0x0  }
0x1e: {  	s5 =	simm.s32 $0x240;
	s2 =	simm.s32 $0x0;
	[sflag:s23] =	ssyncadd.s32 $0xFFFFFFF0  }
.LBB2_2:
0x1f: {  	p0 =	sne.s32 s5, $0xB1C0;
	[tilespmem:s2+$0x2D80] =	vst v0  }
0x20: {  	[tilespmem:s2+$0x2D00] =	vst v0  }
0x21: {  	[tilespmem:s2+$0x2D10] =	vst v0  }
0x22: {  	[tilespmem:s2+$0x2D20] =	vst v0  }
.Ltmp0:
0x23: {  	[tilespmem:s2+$0x2D30] =	vst v0;
	(pc) =	sbr.rel @p0 .LBB2_2-.Ltmp0, $4  }
0x24: {  	[tilespmem:s2+$0x2D40] =	vst v0  }
0x25: {  	[tilespmem:s2+$0x2D50] =	vst v0  }
0x26: {  	[tilespmem:s2+$0x2D60] =	vst v0  }
0x27: {  	[tilespmem:s2+$0x2D70] =	vst v0;
	s2 =	sshra.s32 s5, $0x2;
	s5 =	sadd.s32 $0x240, s5  }
0x28: {  	[tilespmem:s2+$0x2D80] =	vst v0  }
0x29: {  	[tilespmem:s2+$0x2D00] =	vst v0  }
0x2a: {  	[tilespmem:s2+$0x2D10] =	vst v0  }
0x2b: {  	[tilespmem:s2+$0x2D20] =	vst v0  }
0x2c: {  	[tilespmem:s2+$0x2D30] =	vst v0  }
0x2d: {  	[tilespmem:s2+$0x2D40] =	vst v0  }
0x2e: {  	[tilespmem:s2+$0x2D50] =	vst v0  }
0x2f: {  	[tilespmem:s2+$0x2D60] =	vst v0  }
0x30: {  	[tilespmem:s2+$0x2D70] =	vst v0  }
0x31: {  	[spmem:s11] =	stream.linear.scatter [tilespmem:s25], [sflag:$0x3], $0x2D00, $0x38;
	[tilespmem:$0x1C900] =	vst v63  }
0x32: {  	_ =	swait.ge [sflag:s23], $0x2D00  }
0x33: {  	[sflag:s23] =	ssyncset.done $0x0  }
0x34: {  	s12 =	rddreg [dreg:$0x7];
	[sflag:s23] =	ssyncadd.s32 $0xFFFFD300  }
0x35: {  	[spmem:s12] =	stream.linear.scatter [tilespmem:s25], [sflag:$0x3], $0x2D00, $0x38;
	[tilespmem:$0x1C900] =	vst v63  }
0x36: {  	_ =	swait.ge [sflag:s23], $0x2D00  }
0x37: {  	[sflag:s23] =	ssyncset.done $0x0  }
0x38: {  	s13 =	rddreg [dreg:$0x8];
	[sflag:s23] =	ssyncadd.s32 $0xFFFFD300  }
0x39: {  	[spmem:s13] =	stream.linear.scatter [tilespmem:s25], [sflag:$0x3], $0x2D00, $0x38;
	[tilespmem:$0x1C900] =	vst v63  }
0x3a: {  	_ =	swait.ge [sflag:s23], $0x2D00  }
0x3b: {  	[sflag:s23] =	ssyncset.done $0x0  }
0x3c: {  	s14 =	rddreg [dreg:$0x9];
	[sflag:s23] =	ssyncadd.s32 $0xFFFFD300  }
0x3d: {  	[spmem:s14] =	stream.linear.scatter [tilespmem:s25], [sflag:$0x3], $0x2D00, $0x38;
	[tilespmem:$0x1C900] =	vst v63  }
0x3e: {  	_ =	swait.ge [sflag:s23], $0x2D00  }
0x3f: {  	[sflag:s23] =	ssyncset.done $0x0  }
0x40: {  	s15 =	rddreg [dreg:$0xa];
	[sflag:s23] =	ssyncadd.s32 $0xFFFFD300  }
0x41: {  	[spmem:s15] =	stream.linear.scatter [tilespmem:s25], [sflag:$0x3], $0x2D00, $0x38;
	[tilespmem:$0x1C900] =	vst v63  }
0x42: {  	_ =	swait.ge [sflag:s23], $0x2D00  }
0x43: {  	[sflag:s23] =	ssyncset.done $0x0  }
0x44: {  	s16 =	rddreg [dreg:$0xb];
	[sflag:s23] =	ssyncadd.s32 $0xFFFFD300  }
0x45: {  	[spmem:s16] =	stream.linear.scatter [tilespmem:s25], [sflag:$0x3], $0x2D00, $0x38;
	[tilespmem:$0x1C900] =	vst v63  }
0x46: {  	_ =	swait.ge [sflag:s23], $0x2D00  }
0x47: {  	[sflag:s23] =	ssyncset.done $0x0  }
0x48: {  	[sflag:s23] =	ssyncadd.s32 $0xFFFFD300  }
0x49: {  	[spmem:s17] =	stream.linear.scatter [tilespmem:s25], [sflag:$0x3], $0x2D00, $0x38;
	[tilespmem:$0x1C900] =	vst v63  }
0x4a: {  	_ =	swait.ge [sflag:s23], $0x2D00  }
0x4b: {  	[sflag:s23] =	ssyncset.done $0x0  }
0x4c: {  	[sflag:s23] =	ssyncadd.s32 $0xFFFFD300  }
0x4d: {  	[spmem:s18] =	stream.linear.scatter [tilespmem:s25], [sflag:$0x3], $0x2D00, $0x38;
	[tilespmem:$0x1C900] =	vst v63  }
0x4e: {  	_ =	swait.ge [sflag:s23], $0x2D00  }
0x4f: {  	[sflag:s23] =	ssyncset.done $0x0  }
0x50: {  	[sflag:s23] =	ssyncadd.s32 $0xFFFFD300  }
0x51: {  	s2 =	simm.s32 $0x0;
	s5 =	simm.s32 $0x0;
	[bflag:$0x0] =	sbarrier.arrive $0xFFFF  }
.LBB2_4:
0x52: {  	s8 =	smul.u32 $0x50, s5;
	_ =	sdelay $0x1  }
0x53: {  	s8 =	sadd.s32 s19, s8  }
0x54: {  	s8 =	sshrl.u32 s8, $0x3  }
0x55: {  	s9 =	sadd.s32 s10, s8  }
0x56: {  	[tilespmem:s26], [sflag:$0x3] =	stream.linear.gather [hbm4b:s9+s2], $0x50, $0x38;
	[tilespmem:$0x1C900] =	vst v63  }
0x57: {  	_ =	swait.ge [sflag:s23], $0x50  }
0x58: {  	[sflag:s23] =	ssyncset.done $0x0  }
0x59: {  	s16 =	sadd.s32 s1, s8;
	[sflag:s23] =	ssyncadd.s32 $0xFFFFFFB0  }
0x5a: {  	[tilespmem:s28], [sflag:$0x3] =	stream.linear.gather [hbm4b:s16+s2], $0x50, $0x38;
	[tilespmem:$0x1C900] =	vst v63  }
0x5b: {  	_ =	swait.ge [sflag:s23], $0x50  }
0x5c: {  	[sflag:s23] =	ssyncset.done $0x0  }
0x5d: {  	s8 =	sadd.s32 s3, s8;
	[sflag:s23] =	ssyncadd.s32 $0xFFFFFFB0  }
0x5e: {  	[tilespmem:s29], [sflag:$0x3] =	stream.linear.gather [hbm4b:s8+s2], $0x50, $0x38;
	[tilespmem:$0x1C900] =	vst v63  }
0x5f: {  	_ =	swait.ge [sflag:s23], $0x50  }
0x60: {  	[sflag:s23] =	ssyncset.done $0x0  }
0x61: {  	[sflag:s23] =	ssyncadd.s32 $0xFFFFFFB0  }
0x62: {  	[tilespmem:s2], [sflag:$0x1] =	stream.indirect.gather [hbm4b:s6+s30], $0x90, s26, s30, $0xb8;
	[tilespmem:$0x1C900] =	vst v63  }
0x63: {  	s8 =	simm.s32 $0x5A00  }
0x64: {  	[tilespmem:s8], [sflag:$0x2] =	stream.indirect.gather [hbm4b:s7+s30], $0x10, s28, s30, $0xb8;
	[tilespmem:$0x1C900] =	vst v63  }
0x65: {  	_ =	swait.ge [sflag:s31], $0x2D00  }
0x66: {  	v2 =	vmov s2;
	[sflag:s31] =	ssyncset.done $0x0  }
0x67: {  	[sflag:s31] =	ssyncadd.s32 $0xFFFFD300  }
0x68: {  	_ =	swait.ge [sflag:s0], $0x500  }
0x69: {  	[sflag:s0] =	ssyncset.done $0x0  }
0x6a: {  	[sflag:s0] =	ssyncadd.s32 $0xFFFFFB00  }
0x6b: {  	v3 =	vld.idx.msk [tilespmem:v2+s29+$0x0], $0xffff;
	_ =	sdelay $0x4  }
0x6c: {  	v3 =	vshll.u32 v3, $0x4  }
0x6d: {  	v3 =	vor.u32 v1, v3;
	_ =	sdelay $0x1  }
0x6e: {  	s9 =	simm.s32 $0x40;
	v4 =	vld [tilespmem:s8+$0x0]  }
0x6f: {  	v5 =	vld [tilespmem:s9+$0x40];
	_ =	sdelay $0x1  }
0x70: {  	v3 =	vld.idx.msk [tilespmem:v3+s22+$0x0], $0xffff;
	_ =	sdelay $0x2  }
0x71: {  	v4 =	vadd.f32 v4, v5;
	_ =	sdelay $0x1  }
0x72: {  	v3 =	vadd.f32 v3, v4;
	v4 =	vld [tilespmem:$0x60F0];
	_ =	sdelay $0x1  }
0x73: {  	v5 =	vmul.f32 $2.000000030e-01, v3;
	_ =	sdelay $0x1  }
0x74: {  	v3 =	vmax.f32 v3, v5  }
0x75: {  	v3 =	vsub.f32 v3, v4;
	_ =	sdelay $0x1  }
0x76: {  	v3 =	vmul.f32 $1.442695020e+00, v3;
	_ =	sdelay $0x1  }
0x77: {  	(erf) = vpow2.f32 v3;
	_ =	sdelay $0x3  }
0x78: {  	v2 =	vmul.u32 $0x90, v2;
	_ =	sdelay $0x1  }
0x79: {  	v3 =	vadd.s32 $0x80, v2;
	_ =	sdelay $0x2  }
0x7a: {  	s13 =	simm.s32 $0x2D40;
	v4 =	vpop (erf)  }
0x7b: {  	[tilespmem:s13+$0x40] =	vst v4  }
0x7c: {  	v3 =	vld.idx.msk [tilespmem:v3+s25+$0x0], $0xffff  }
0x7d: {  	v4 =	vld [tilespmem:s9+$0xFFFFFFC0];
	_ =	sdelay $0x2  }
0x7e: {  	v5 =	vadd.s32 $0x81, v2;
	_ =	sdelay $0x1  }
0x7f: {  	v3 =	vmul.f32 v4, v3;
	_ =	sdelay $0x1  }
0x80: {  	[tilespmem:s13+$0xFFFFFFC0] =	vst v3  }
0x81: {  	v3 =	vld.idx.msk [tilespmem:v5+s25+$0x0], $0xffff  }
0x82: {  	v4 =	vld [tilespmem:s9+$0xFFFFFFD0];
	_ =	sdelay $0x2  }
0x83: {  	v5 =	vadd.s32 $0x82, v2;
	_ =	sdelay $0x1  }
0x84: {  	v3 =	vmul.f32 v4, v3;
	_ =	sdelay $0x1  }
0x85: {  	[tilespmem:s13+$0xFFFFFFD0] =	vst v3  }
0x86: {  	v3 =	vld.idx.msk [tilespmem:v5+s25+$0x0], $0xffff  }
0x87: {  	v4 =	vld [tilespmem:s9+$0xFFFFFFE0];
	_ =	sdelay $0x2  }
0x88: {  	v5 =	vadd.s32 $0x83, v2;
	_ =	sdelay $0x1  }
0x89: {  	v3 =	vmul.f32 v4, v3;
	_ =	sdelay $0x1  }
0x8a: {  	[tilespmem:s13+$0xFFFFFFE0] =	vst v3  }
0x8b: {  	v3 =	vld.idx.msk [tilespmem:v5+s25+$0x0], $0xffff  }
0x8c: {  	v4 =	vld [tilespmem:s9+$0xFFFFFFF0];
	_ =	sdelay $0x2  }
0x8d: {  	v5 =	vadd.s32 $0x84, v2;
	_ =	sdelay $0x1  }
0x8e: {  	v3 =	vmul.f32 v4, v3;
	_ =	sdelay $0x1  }
0x8f: {  	[tilespmem:s13+$0xFFFFFFF0] =	vst v3  }
0x90: {  	v3 =	vld.idx.msk [tilespmem:v5+s25+$0x0], $0xffff  }
0x91: {  	v4 =	vld [tilespmem:s9+$0x0];
	_ =	sdelay $0x2  }
0x92: {  	v5 =	vadd.s32 $0x85, v2;
	_ =	sdelay $0x1  }
0x93: {  	v3 =	vmul.f32 v4, v3;
	_ =	sdelay $0x1  }
0x94: {  	[tilespmem:s13+$0x0] =	vst v3  }
0x95: {  	v3 =	vld.idx.msk [tilespmem:v5+s25+$0x0], $0xffff  }
0x96: {  	v4 =	vld [tilespmem:s9+$0x10];
	_ =	sdelay $0x2  }
0x97: {  	v5 =	vadd.s32 $0x86, v2;
	_ =	sdelay $0x1  }
0x98: {  	v3 =	vmul.f32 v4, v3;
	_ =	sdelay $0x1  }
0x99: {  	[tilespmem:s13+$0x10] =	vst v3  }
0x9a: {  	v3 =	vld.idx.msk [tilespmem:v5+s25+$0x0], $0xffff  }
0x9b: {  	v4 =	vld [tilespmem:s9+$0x20];
	_ =	sdelay $0x2  }
0x9c: {  	v2 =	vadd.s32 $0x87, v2;
	_ =	sdelay $0x1  }
0x9d: {  	v3 =	vmul.f32 v4, v3;
	_ =	sdelay $0x1  }
0x9e: {  	[tilespmem:s13+$0x20] =	vst v3  }
0x9f: {  	v4 =	vld.idx.msk [tilespmem:v2+s25+$0x0], $0xffff  }
0xa0: {  	v5 =	vld [tilespmem:s9+$0x30];
	_ =	sdelay $0x1  }
0xa1: {  	s12 =	simm.s32 $0x1  }
0xa2: {  	v3 =	vmov s12;
	_ =	sdelay $0x1  }
0xa3: {  	s14 =	simm.s32 $0x2;
	s12 =	simm.s32 $0x2DD0;
	v2 =	vmul.u32 $0x90, v3;
	v4 =	vmul.f32 v5, v4  }
.LBB2_5:
0xa4: {  	s8 =	sadd.s32 $0x10, s8;
	s9 =	sadd.s32 $0x90, s9  }
0xa5: {  	[tilespmem:s13+$0x30] =	vst v4;
	s15 =	smov.u32 s14;
	s16 =	sadd.s32 $0x1, s14;
	s13 =	smov.u32 s12  }
0xa6: {  	p0 =	sne.s32 s14, $0x4F;
	v3 =	vld.idx.msk [tilespmem:v3+s29+$0x0], $0xffff;
	_ =	sdelay $0x5  }
0xa7: {  	v3 =	vshll.u32 v3, $0x4  }
0xa8: {  	v3 =	vor.u32 v1, v3;
	_ =	sdelay $0x2  }
0xa9: {  	v4 =	vld [tilespmem:s8+$0x0]  }
0xaa: {  	v5 =	vld [tilespmem:s9+$0x40]  }
0xab: {  	v3 =	vld.idx.msk [tilespmem:v3+s22+$0x0], $0xffff;
	_ =	sdelay $0x3  }
0xac: {  	v4 =	vadd.f32 v4, v5;
	_ =	sdelay $0x1  }
0xad: {  	v3 =	vadd.f32 v3, v4;
	v4 =	vld [tilespmem:$0x60F0];
	_ =	sdelay $0x1  }
0xae: {  	v5 =	vmul.f32 $2.000000030e-01, v3;
	_ =	sdelay $0x1  }
0xaf: {  	v3 =	vmax.f32 v3, v5  }
0xb0: {  	v3 =	vsub.f32 v3, v4;
	_ =	sdelay $0x1  }
0xb1: {  	v3 =	vmul.f32 $1.442695020e+00, v3;
	_ =	sdelay $0x1  }
0xb2: {  	(erf) = vpow2.f32 v3;
	_ =	sdelay $0x5  }
0xb3: {  	v3 =	vadd.s32 $0x80, v2;
	_ =	sdelay $0x2  }
0xb4: {  	v4 =	vpop (erf)  }
0xb5: {  	[tilespmem:s12+$0x40] =	vst v4  }
0xb6: {  	v3 =	vld.idx.msk [tilespmem:v3+s25+$0x0], $0xffff  }
0xb7: {  	v4 =	vld [tilespmem:s9+$0xFFFFFFC0];
	_ =	sdelay $0x2  }
0xb8: {  	v5 =	vadd.s32 $0x81, v2;
	_ =	sdelay $0x1  }
0xb9: {  	v3 =	vmul.f32 v4, v3;
	_ =	sdelay $0x1  }
0xba: {  	[tilespmem:s12+$0xFFFFFFC0] =	vst v3  }
0xbb: {  	v3 =	vld.idx.msk [tilespmem:v5+s25+$0x0], $0xffff  }
0xbc: {  	v4 =	vld [tilespmem:s9+$0xFFFFFFD0];
	_ =	sdelay $0x2  }
0xbd: {  	v5 =	vadd.s32 $0x82, v2;
	_ =	sdelay $0x1  }
0xbe: {  	v3 =	vmul.f32 v4, v3;
	_ =	sdelay $0x1  }
0xbf: {  	[tilespmem:s12+$0xFFFFFFD0] =	vst v3  }
0xc0: {  	v3 =	vld.idx.msk [tilespmem:v5+s25+$0x0], $0xffff  }
0xc1: {  	v4 =	vld [tilespmem:s9+$0xFFFFFFE0];
	_ =	sdelay $0x2  }
0xc2: {  	v5 =	vadd.s32 $0x83, v2;
	_ =	sdelay $0x1  }
0xc3: {  	v3 =	vmul.f32 v4, v3;
	_ =	sdelay $0x1  }
0xc4: {  	[tilespmem:s12+$0xFFFFFFE0] =	vst v3  }
0xc5: {  	v3 =	vld.idx.msk [tilespmem:v5+s25+$0x0], $0xffff  }
0xc6: {  	v4 =	vld [tilespmem:s9+$0xFFFFFFF0];
	_ =	sdelay $0x2  }
0xc7: {  	v5 =	vadd.s32 $0x84, v2;
	_ =	sdelay $0x1  }
0xc8: {  	v3 =	vmul.f32 v4, v3;
	_ =	sdelay $0x1  }
0xc9: {  	[tilespmem:s12+$0xFFFFFFF0] =	vst v3  }
0xca: {  	v3 =	vld.idx.msk [tilespmem:v5+s25+$0x0], $0xffff  }
0xcb: {  	v4 =	vld [tilespmem:s9+$0x0];
	_ =	sdelay $0x2  }
0xcc: {  	v5 =	vadd.s32 $0x85, v2;
	_ =	sdelay $0x1  }
0xcd: {  	v3 =	vmul.f32 v4, v3;
	_ =	sdelay $0x1  }
0xce: {  	[tilespmem:s12+$0x0] =	vst v3  }
0xcf: {  	v3 =	vld.idx.msk [tilespmem:v5+s25+$0x0], $0xffff  }
0xd0: {  	v4 =	vld [tilespmem:s9+$0x10];
	_ =	sdelay $0x2  }
0xd1: {  	v5 =	vadd.s32 $0x86, v2;
	_ =	sdelay $0x1  }
0xd2: {  	v3 =	vmul.f32 v4, v3;
	_ =	sdelay $0x1  }
0xd3: {  	[tilespmem:s12+$0x10] =	vst v3  }
0xd4: {  	v3 =	vld.idx.msk [tilespmem:v5+s25+$0x0], $0xffff  }
0xd5: {  	v4 =	vld [tilespmem:s9+$0x20];
	_ =	sdelay $0x2  }
0xd6: {  	v2 =	vadd.s32 $0x87, v2;
	_ =	sdelay $0x1  }
0xd7: {  	v3 =	vmul.f32 v4, v3;
	_ =	sdelay $0x1  }
0xd8: {  	[tilespmem:s12+$0x20] =	vst v3  }
0xd9: {  	v4 =	vld.idx.msk [tilespmem:v2+s25+$0x0], $0xffff  }
0xda: {  	v5 =	vld [tilespmem:s9+$0x30];
	_ =	sdelay $0x1  }
.Ltmp1:
0xdb: {  	(pc) =	sbr.rel @p0 .LBB2_5-.Ltmp1, $4  }
0xdc: {  	v3 =	vmov s15  }
0xdd: {  	v2 =	vmul.u32 $0x90, v3  }
0xde: {  	v4 =	vmul.f32 v5, v4  }
0xdf: {  	s14 =	smov.u32 s16;
	s12 =	sadd.s32 $0x90, s12  }
0xe0: {  	_ =	sdelay $0x2  }
0xe1: {  	[tilespmem:s13+$0x30] =	vst v4  }
0xe2: {  	v3 =	vld.idx.msk [tilespmem:v3+s29+$0x0], $0xffff;
	_ =	sdelay $0x4  }
0xe3: {  	v3 =	vshll.u32 v3, $0x4  }
0xe4: {  	v3 =	vor.u32 v1, v3  }
0xe5: {  	s8 =	sadd.s32 $0x10, s8  }
0xe6: {  	s9 =	sadd.s32 $0x90, s9;
	v4 =	vld [tilespmem:s8+$0x0]  }
0xe7: {  	v5 =	vld [tilespmem:s9+$0x40];
	_ =	sdelay $0x1  }
0xe8: {  	v3 =	vld.idx.msk [tilespmem:v3+s22+$0x0], $0xffff;
	_ =	sdelay $0x2  }
0xe9: {  	v4 =	vadd.f32 v4, v5;
	_ =	sdelay $0x1  }
0xea: {  	v49 =	vld [tilespmem:$0x60F0];
	v3 =	vadd.f32 v3, v4;
	_ =	sdelay $0x1  }
0xeb: {  	v50 =	vmul.f32 $2.000000030e-01, v3;
	_ =	sdelay $0x1  }
0xec: {  	v3 =	vmax.f32 v3, v50  }
0xed: {  	v3 =	vsub.f32 v3, v49;
	_ =	sdelay $0x1  }
0xee: {  	v3 =	vmul.f32 $1.442695020e+00, v3;
	_ =	sdelay $0x1  }
0xef: {  	(erf) = vpow2.f32 v3;
	_ =	sdelay $0x5  }
0xf0: {  	v3 =	vadd.s32 $0x80, v2;
	_ =	sdelay $0x2  }
0xf1: {  	v51 =	vpop (erf)  }
0xf2: {  	[tilespmem:s12+$0x40] =	vst v51  }
0xf3: {  	v3 =	vld.idx.msk [tilespmem:v3+s25+$0x0], $0xffff  }
0xf4: {  	v4 =	vld [tilespmem:s9+$0xFFFFFFC0];
	_ =	sdelay $0x2  }
0xf5: {  	v52 =	vadd.s32 $0x81, v2;
	_ =	sdelay $0x1  }
0xf6: {  	v3 =	vmul.f32 v4, v3;
	_ =	sdelay $0x1  }
0xf7: {  	[tilespmem:s12+$0xFFFFFFC0] =	vst v3  }
0xf8: {  	v3 =	vld.idx.msk [tilespmem:v52+s25+$0x0], $0xffff  }
0xf9: {  	v53 =	vld [tilespmem:s9+$0xFFFFFFD0];
	_ =	sdelay $0x2  }
0xfa: {  	v54 =	vadd.s32 $0x82, v2;
	_ =	sdelay $0x1  }
0xfb: {  	v3 =	vmul.f32 v53, v3;
	_ =	sdelay $0x1  }
0xfc: {  	[tilespmem:s12+$0xFFFFFFD0] =	vst v3  }
0xfd: {  	v3 =	vld.idx.msk [tilespmem:v54+s25+$0x0], $0xffff  }
0xfe: {  	v55 =	vld [tilespmem:s9+$0xFFFFFFE0];
	_ =	sdelay $0x2  }
0xff: {  	v56 =	vadd.s32 $0x83, v2;
	_ =	sdelay $0x1  }
0x100: {  	v3 =	vmul.f32 v55, v3;
	_ =	sdelay $0x1  }
0x101: {  	[tilespmem:s12+$0xFFFFFFE0] =	vst v3  }
0x102: {  	v3 =	vld.idx.msk [tilespmem:v56+s25+$0x0], $0xffff  }
0x103: {  	v57 =	vld [tilespmem:s9+$0xFFFFFFF0];
	_ =	sdelay $0x2  }
0x104: {  	v58 =	vadd.s32 $0x84, v2;
	_ =	sdelay $0x1  }
0x105: {  	v3 =	vmul.f32 v57, v3;
	_ =	sdelay $0x1  }
0x106: {  	[tilespmem:s12+$0xFFFFFFF0] =	vst v3  }
0x107: {  	v3 =	vld.idx.msk [tilespmem:v58+s25+$0x0], $0xffff  }
0x108: {  	v59 =	vld [tilespmem:s9+$0x0];
	_ =	sdelay $0x2  }
0x109: {  	v60 =	vadd.s32 $0x85, v2;
	_ =	sdelay $0x1  }
0x10a: {  	v3 =	vmul.f32 v59, v3;
	_ =	sdelay $0x1  }
0x10b: {  	[tilespmem:s12+$0x0] =	vst v3  }
0x10c: {  	v3 =	vld.idx.msk [tilespmem:v60+s25+$0x0], $0xffff  }
0x10d: {  	v61 =	vld [tilespmem:s9+$0x10];
	_ =	sdelay $0x2  }
0x10e: {  	v62 =	vadd.s32 $0x86, v2;
	_ =	sdelay $0x1  }
0x10f: {  	v3 =	vmul.f32 v61, v3;
	_ =	sdelay $0x1  }
0x110: {  	[tilespmem:s12+$0x10] =	vst v3  }
0x111: {  	v3 =	vld.idx.msk [tilespmem:v62+s25+$0x0], $0xffff  }
0x112: {  	v63 =	vld [tilespmem:s9+$0x20];
	_ =	sdelay $0x2  }
0x113: {  	v2 =	vadd.s32 $0x87, v2;
	_ =	sdelay $0x1  }
0x114: {  	v3 =	vmul.f32 v63, v3;
	_ =	sdelay $0x1  }
0x115: {  	[tilespmem:s12+$0x20] =	vst v3  }
0x116: {  	v2 =	vld.idx.msk [tilespmem:v2+s25+$0x0], $0xffff  }
0x117: {  	v3 =	vld [tilespmem:s9+$0x30];
	_ =	sdelay $0x4  }
0x118: {  	s5 =	sadd.s32 $0x1, s5;
	v2 =	vmul.f32 v3, v2  }
0x119: {  	p0 =	sne.s32 s5, $0x7D  }
.Ltmp2:
0x11a: {  	[tilespmem:s12+$0x30] =	vst v2;
	(pc) =	sbr.rel @p0 .LBB2_4-.Ltmp2, $4  }
0x11b: {  	[spmem:s4] =	stream.indirect.scatter.add.f32 [tilespmem:s25], [sflag:$0x3], $0x90, s28, s30, $0xb8;
	[tilespmem:$0x1C900] =	vst v63  }
0x11c: {  	_ =	swait.ge [sflag:s23], $0x2D00  }
0x11d: {  	[sflag:s23] =	ssyncset.done $0x0  }
0x11e: {  	[sflag:s23] =	ssyncadd.s32 $0xFFFFD300  }
0x11f: {  	s2 =	stileid.u32;
	s24 =	sadd.s32 $0x1, s24  }
0x120: {  	[bflag:$0x0] =	sbarrier.arrive $0xFFFF;
	s2 =	sshll.u32 s2, $0x6;
	p0 =	sne.s32 s24, s21  }
.Ltmp3:
0x121: {  	s5 =	sshrl.u32 s11, $0x3;
	s2 =	sor.u32 $0x1C03, s2;
	(pc) =	sbr.rel @p0 .LBB2_1-.Ltmp3, $4  }
0x122: {  	[hbm:s20], [sflag:s2] =	dma.local [spmem:s5], $0x2D00  }
0x123: {  	_ =	swait.ge [sflag:s23], $0x2D00  }
0x124: {  	[sflag:s23] =	ssyncset.done $0x0  }
0x125: {  	[sflag:s23] =	ssyncadd.s32 $0xFFFFD300  }
0x126: {  	_ =	sfence.sel $0x180000  }
0x127: {  	[bflag:$0x0] =	sbarrier.arrive $0xFFFF  }
0x128: {  	_ =	strace $0x90000047  }
0x129: {  	s0 =	stileid.u32;
	[bflag:$0x2] =	sbarrier.arrive $0xFFFF  }
0x12a: {  	p0 =	sne.s32 s0, $0x0;
	s0 =	rddreg [dreg:$0x4]  }
0x12b: {  	s0 =	sadd.s32 @!p0 $0x100000, s0  }
0x12c: {  	[sflag:s0] =	ssyncadd.tile.s32 @!p0 $0x1;
	_ =	shalt  }
.Lfunc_end2:
_tile_overlayer_lowered:
.L_overlay_start_2:
0x12d: {  	(tag) =	ssettag $0x2  }
0x12e: {  	s0 =	rddreg [dreg:$0x0];
	s2 =	stileid.u32  }
0x12f: {  	s1 =	rddreg [dreg:$0x1];
	p0 =	sne.s32 s2, $0x0  }
0x130: {  	s3 =	rddreg [dreg:$0x2];
	[bflag:$0x3] =	sbarrier.arrive $0xFFFF;
	s2 =	simm.s32 @!p0 $0x1C03  }
0x131: {  	[timem:s3], [sflag:s2] =	dma.local @!p0 [hbm:s0], s1  }
0x132: {  	s0 =	simm.s32 @!p0 $0x3  }
0x133: {  	_ =	swait.ge @!p0 [sflag:s0], s1  }
0x134: {  	s1 =	ssub.s32 @!p0 $0x0, s1;
	[sflag:s0] =	ssyncset.done @!p0 $0x0  }
0x135: {  	[sflag:s0] =	ssyncadd.s32 @!p0 s1  }
0x136: {  	[bflag:$0x3] =	sbarrier.arrive $0xFFFF  }
0x137: {  	_ =	shalt  }

</sc_bundles>
